<compile_context>
chip_gen: v7x
topology: tpu7x:2x2x1
jax: 0.10.2.dev20260603
libtpu: 0.0.44.dev20260713+nightly
codegen_flags: <defaults>
</compile_context>

<pallas_src>
import functools

import jax
import jax.numpy as jnp
from jax import lax
from jax.experimental import pallas as pl
from jax.experimental.pallas import tpu as pltpu
from jax.experimental.pallas import tpu_sc as plsc

N_NODES = 10000
N_EDGES = 320000
D = 128

NC = 2
NS = 16
LANES = 16

E_PER_TILE = N_EDGES // (NC * NS)
CHUNK = 128
N_FULL = E_PER_TILE // CHUNK
REM = E_PER_TILE - N_FULL * CHUNK

ROWS_PER_TILE = 624
LAST_EXTRA = N_NODES - NS * ROWS_PER_TILE
ZCHUNK = 104


def _relu_add_rows(gbuf, ebuf, n_rows):

    def row(r, carry):
        for c in range(D // LANES):
            s = pl.ds(c * LANES, LANES)
            ebuf[r, s] = jnp.maximum(gbuf[r, s] + ebuf[r, s], 0.0)
        return carry

    lax.fori_loop(0, n_rows, row, 0, unroll=2)


def _sc_body(nodes_hbm, src_hbm, dst_hbm, edges_hbm, out_hbm,
             idx_s, idx_d, gbuf, ebuf, idx_s_r, idx_d_r, gbuf_r, ebuf_r,
             acc, sem):
    cid = lax.axis_index("c")
    sid = lax.axis_index("s")
    wid = cid * NS + sid

    def zrow(r, carry):
        for c in range(D // LANES):
            gbuf[r, pl.ds(c * LANES, LANES)] = jnp.zeros((LANES,), jnp.float32)
        return carry

    lax.fori_loop(0, ZCHUNK, zrow, 0)
    row0 = sid * ROWS_PER_TILE
    for i in range(ROWS_PER_TILE // ZCHUNK):
        pltpu.sync_copy(gbuf.at[pl.ds(0, ZCHUNK)],
                        acc.at[pl.ds(row0 + i * ZCHUNK, ZCHUNK)])

    @pl.when(sid == NS - 1)
    def _zero_tail():
        pltpu.sync_copy(gbuf.at[pl.ds(0, LAST_EXTRA)],
                        acc.at[pl.ds(NS * ROWS_PER_TILE, LAST_EXTRA)])

    plsc.subcore_barrier()

    base = wid * E_PER_TILE

    def chunk(k, carry):
        e0 = base + k * CHUNK
        pltpu.sync_copy(src_hbm.at[pl.ds(e0, CHUNK)], idx_s)
        pltpu.sync_copy(dst_hbm.at[pl.ds(e0, CHUNK)], idx_d)
        g = pltpu.async_copy(nodes_hbm.at[idx_s], gbuf, sem)
        pltpu.sync_copy(edges_hbm.at[pl.ds(e0, CHUNK)], ebuf)
        g.wait()
        _relu_add_rows(gbuf, ebuf, CHUNK)
        pltpu.sync_copy(ebuf, acc.at[idx_d], add=True)
        return carry

    lax.fori_loop(0, N_FULL, chunk, 0)

    e0 = base + N_FULL * CHUNK
    pltpu.sync_copy(src_hbm.at[pl.ds(e0, REM)], idx_s_r)
    pltpu.sync_copy(dst_hbm.at[pl.ds(e0, REM)], idx_d_r)
    g = pltpu.async_copy(nodes_hbm.at[idx_s_r], gbuf_r, sem)
    pltpu.sync_copy(edges_hbm.at[pl.ds(e0, REM)], ebuf_r)
    g.wait()
    _relu_add_rows(gbuf_r, ebuf_r, REM)
    pltpu.sync_copy(ebuf_r, acc.at[idx_d_r], add=True)

    plsc.subcore_barrier()
    out_base = cid * N_NODES + sid * ROWS_PER_TILE
    pltpu.sync_copy(acc.at[pl.ds(row0, ROWS_PER_TILE)],
                    out_hbm.at[pl.ds(out_base, ROWS_PER_TILE)])

    @pl.when(sid == NS - 1)
    def _write_tail():
        pltpu.sync_copy(acc.at[pl.ds(NS * ROWS_PER_TILE, LAST_EXTRA)],
                        out_hbm.at[pl.ds(cid * N_NODES + NS * ROWS_PER_TILE,
                                         LAST_EXTRA)])


@jax.jit
def _sc_partials(nodes, src, dst, edges):
    mesh = plsc.VectorSubcoreMesh(core_axis_name="c", subcore_axis_name="s")
    return pl.kernel(
        _sc_body,
        out_type=jax.ShapeDtypeStruct((NC * N_NODES, D), jnp.float32),
        mesh=mesh,
        scratch_types=[
            pltpu.VMEM((CHUNK,), jnp.int32),
            pltpu.VMEM((CHUNK,), jnp.int32),
            pltpu.VMEM((CHUNK, D), jnp.float32),
            pltpu.VMEM((CHUNK, D), jnp.float32),
            pltpu.VMEM((REM,), jnp.int32),
            pltpu.VMEM((REM,), jnp.int32),
            pltpu.VMEM((REM, D), jnp.float32),
            pltpu.VMEM((REM, D), jnp.float32),
            pltpu.VMEM_SHARED((N_NODES, D), jnp.float32),
            pltpu.SemaphoreType.DMA,
        ],
    )(nodes, src, dst, edges)


def _combine_body(eps_ref, nodes_ref, p0_ref, p1_ref, out_ref):
    scale = 1.0 + eps_ref[0, 0]
    out_ref[...] = scale * nodes_ref[...] + p0_ref[...] + p1_ref[...]


@jax.jit
def _combine(nodes, partials, eps):
    blk = 1000
    grid = N_NODES // blk
    return pl.pallas_call(
        _combine_body,
        grid=(grid,),
        in_specs=[
            pl.BlockSpec(memory_space=pltpu.SMEM),
            pl.BlockSpec((blk, D), lambda i: (i, 0)),
            pl.BlockSpec((blk, D), lambda i: (i, 0)),
            pl.BlockSpec((blk, D), lambda i: (i + grid, 0)),
        ],
        out_specs=pl.BlockSpec((blk, D), lambda i: (i, 0)),
        out_shape=jax.ShapeDtypeStruct((N_NODES, D), jnp.float32),
    )(eps.reshape(1, 1), nodes, partials, partials)


def kernel(nodes, edge_index, edges, eps):
    src = edge_index[1].astype(jnp.int32)
    dst = edge_index[0].astype(jnp.int32)
    partials = _sc_partials(nodes, src, dst, edges)
    return _combine(nodes, partials, eps.astype(jnp.float32))

# --- scband reference (transcript-rebuilt; emitter-appended) ---
"""Pipeline reference for scband-gine-24953759989867 (READ-ONLY COPY).

The authoritative reference and input builder live on the scoring server;
editing this copy changes nothing except your own understanding.
"""

import jax, jax.numpy as jnp
import numpy as np

N_NODES = 10000
N_EDGES = 320000
D_FEAT = 128

def setup_inputs(seed: int = 0) -> dict:
    key = jax.random.key(seed)
    k1, k2, k3 = jax.random.split(key, 3)
    nodes = jax.random.normal(k1, (N_NODES, D_FEAT), dtype=jnp.float32)
    edge_index = jax.random.randint(k2, (2, N_EDGES), 0, N_NODES, dtype=jnp.int64)
    edges = jax.random.normal(k3, (N_EDGES, D_FEAT), dtype=jnp.float32)
    # learned epsilon weight (initializer='zeros', trainable=False here but still a parameter)
    eps = jnp.zeros((), dtype=jnp.float32)
    return {"nodes": nodes, "edge_index": edge_index, "edges": edges, "eps": eps}

def reference(nodes, edge_index, edges, eps):
    # GatherNodesOutgoing: gather sending nodes j at edge_index[1]
    src = edge_index[1]
    dst = edge_index[0]
    ed = jnp.take(nodes, src, axis=0)
    # Add edge embeddings, apply activation phi (relu)
    ed = jax.nn.relu(ed + edges)
    # AggregateLocalEdges with scatter_sum: pool edge messages to receiver nodes (edge_index[0])
    nu = jax.ops.segment_sum(ed, dst, num_segments=nodes.shape[0])
    # (1 + eps) * h_i + sum_j phi(h_j + e_ij)
    no = (jnp.asarray(1.0, dtype=eps.dtype) + eps) * nodes
    out = no + nu
    return out

if __name__ == "__main__":
    import jax
    _d = setup_inputs()
    print(jax.jit(kernel)(*tuple(_d.values())))

</pallas_src>

<mosaic_0001>
#map = affine_map<(d0, d1) -> (0, 0)>
#map1 = affine_map<(d0, d1) -> (0)>
module attributes {stable_mosaic.version = 14 : i64} {
  func.func @_sc_body(%arg0: i32, %arg1: i32, %arg2: memref<10000x128xf32, #tpu.memory_space<hbm>>, %arg3: memref<320000xi32, #tpu.memory_space<hbm>>, %arg4: memref<320000xi32, #tpu.memory_space<hbm>>, %arg5: memref<320000x128xf32, #tpu.memory_space<hbm>>, %arg6: memref<20000x128xf32, #tpu.memory_space<hbm>>, %arg7: memref<128xi32, #tpu.memory_space<vmem>>, %arg8: memref<128xi32, #tpu.memory_space<vmem>>, %arg9: memref<128x128xf32, #tpu.memory_space<vmem>>, %arg10: memref<128x128xf32, #tpu.memory_space<vmem>>, %arg11: memref<16xi32, #tpu.memory_space<vmem>>, %arg12: memref<16xi32, #tpu.memory_space<vmem>>, %arg13: memref<16x128xf32, #tpu.memory_space<vmem>>, %arg14: memref<16x128xf32, #tpu.memory_space<vmem>>, %arg15: memref<10000x128xf32, #tpu.memory_space<vmem_shared>>, %arg16: memref<!tpu.dma_semaphore, #tpu.memory_space<semaphore_mem>>) attributes {dimension_semantics = [#tpu.dimension_semantics<core_parallel>, #tpu.dimension_semantics<subcore_parallel>], iteration_bounds = array<i64: 2, 16>, scalar_prefetch = 0 : i64, scratch_operands = 10 : i64, tpu.core_type = #tpu.core_type<sc_vector_subcore>, window_params = [{transform_indices = #map}, {transform_indices = #map1}, {transform_indices = #map1}, {transform_indices = #map}, {transform_indices = #map}]} {
    %mul3A = arith.constant 16 : i32
    %mul3A_0 = arith.muli %arg0, %mul3A : i32
    %add3A = arith.addi %mul3A_0, %arg1 : i32
    %scan3A = arith.constant 0 : i32
    %scan3A_1 = arith.constant 0 : i32
    %scan3A_2 = arith.constant 104 : i32
    %scan3A_3 = arith.addi %scan3A_1, %scan3A_2 : i32
    %scan3A_4 = arith.constant 1 : i32
    scf.for %scan3A_53 = %scan3A_1 to %scan3A_3 step %scan3A_4  : i32 {
      %broadcast_in_dim3A = arith.constant 0.000000e+00 : f32
      %broadcast_in_dim3A_54 = vector.broadcast %broadcast_in_dim3A : f32 to vector<16xf32>
      %swap3A = arith.index_cast %scan3A_53 : i32 to index
      %swap3A_55 = arith.constant 0 : index
      %swap3A_56 = tpu.vector_load %arg9[%swap3A, %swap3A_55] {strides = array<i32>} : memref<128x128xf32, #tpu.memory_space<vmem>>, vector<1x16xf32>,
      %swap3A_57 = vector.shape_cast %swap3A_56 : vector<1x16xf32> to vector<16xf32>
      %swap3A_58 = vector.shape_cast %broadcast_in_dim3A_54 : vector<16xf32> to vector<1x16xf32>
      tpu.vector_store %arg9[%swap3A, %swap3A_55], %swap3A_58 {strides = array<i32>} : memref<128x128xf32, #tpu.memory_space<vmem>>, vector<1x16xf32>,
      %broadcast_in_dim3A_59 = arith.constant 0.000000e+00 : f32
      %broadcast_in_dim3A_60 = vector.broadcast %broadcast_in_dim3A_59 : f32 to vector<16xf32>
      %swap3A_61 = arith.index_cast %scan3A_53 : i32 to index
      %swap3A_62 = arith.constant 16 : index
      %swap3A_63 = tpu.vector_load %arg9[%swap3A_61, %swap3A_62] {strides = array<i32>} : memref<128x128xf32, #tpu.memory_space<vmem>>, vector<1x16xf32>,
      %swap3A_64 = vector.shape_cast %swap3A_63 : vector<1x16xf32> to vector<16xf32>
      %swap3A_65 = vector.shape_cast %broadcast_in_dim3A_60 : vector<16xf32> to vector<1x16xf32>
      tpu.vector_store %arg9[%swap3A_61, %swap3A_62], %swap3A_65 {strides = array<i32>} : memref<128x128xf32, #tpu.memory_space<vmem>>, vector<1x16xf32>,
      %broadcast_in_dim3A_66 = arith.constant 0.000000e+00 : f32
      %broadcast_in_dim3A_67 = vector.broadcast %broadcast_in_dim3A_66 : f32 to vector<16xf32>
      %swap3A_68 = arith.index_cast %scan3A_53 : i32 to index
      %swap3A_69 = arith.constant 32 : index
      %swap3A_70 = tpu.vector_load %arg9[%swap3A_68, %swap3A_69] {strides = array<i32>} : memref<128x128xf32, #tpu.memory_space<vmem>>, vector<1x16xf32>,
      %swap3A_71 = vector.shape_cast %swap3A_70 : vector<1x16xf32> to vector<16xf32>
      %swap3A_72 = vector.shape_cast %broadcast_in_dim3A_67 : vector<16xf32> to vector<1x16xf32>
      tpu.vector_store %arg9[%swap3A_68, %swap3A_69], %swap3A_72 {strides = array<i32>} : memref<128x128xf32, #tpu.memory_space<vmem>>, vector<1x16xf32>,
      %broadcast_in_dim3A_73 = arith.constant 0.000000e+00 : f32
      %broadcast_in_dim3A_74 = vector.broadcast %broadcast_in_dim3A_73 : f32 to vector<16xf32>
      %swap3A_75 = arith.index_cast %scan3A_53 : i32 to index
      %swap3A_76 = arith.constant 48 : index
      %swap3A_77 = tpu.vector_load %arg9[%swap3A_75, %swap3A_76] {strides = array<i32>} : memref<128x128xf32, #tpu.memory_space<vmem>>, vector<1x16xf32>,
      %swap3A_78 = vector.shape_cast %swap3A_77 : vector<1x16xf32> to vector<16xf32>
      %swap3A_79 = vector.shape_cast %broadcast_in_dim3A_74 : vector<16xf32> to vector<1x16xf32>
      tpu.vector_store %arg9[%swap3A_75, %swap3A_76], %swap3A_79 {strides = array<i32>} : memref<128x128xf32, #tpu.memory_space<vmem>>, vector<1x16xf32>,
      %broadcast_in_dim3A_80 = arith.constant 0.000000e+00 : f32
      %broadcast_in_dim3A_81 = vector.broadcast %broadcast_in_dim3A_80 : f32 to vector<16xf32>
      %swap3A_82 = arith.index_cast %scan3A_53 : i32 to index
      %swap3A_83 = arith.constant 64 : index
      %swap3A_84 = tpu.vector_load %arg9[%swap3A_82, %swap3A_83] {strides = array<i32>} : memref<128x128xf32, #tpu.memory_space<vmem>>, vector<1x16xf32>,
      %swap3A_85 = vector.shape_cast %swap3A_84 : vector<1x16xf32> to vector<16xf32>
      %swap3A_86 = vector.shape_cast %broadcast_in_dim3A_81 : vector<16xf32> to vector<1x16xf32>
      tpu.vector_store %arg9[%swap3A_82, %swap3A_83], %swap3A_86 {strides = array<i32>} : memref<128x128xf32, #tpu.memory_space<vmem>>, vector<1x16xf32>,
      %broadcast_in_dim3A_87 = arith.constant 0.000000e+00 : f32
      %broadcast_in_dim3A_88 = vector.broadcast %broadcast_in_dim3A_87 : f32 to vector<16xf32>
      %swap3A_89 = arith.index_cast %scan3A_53 : i32 to index
      %swap3A_90 = arith.constant 80 : index
      %swap3A_91 = tpu.vector_load %arg9[%swap3A_89, %swap3A_90] {strides = array<i32>} : memref<128x128xf32, #tpu.memory_space<vmem>>, vector<1x16xf32>,
      %swap3A_92 = vector.shape_cast %swap3A_91 : vector<1x16xf32> to vector<16xf32>
      %swap3A_93 = vector.shape_cast %broadcast_in_dim3A_88 : vector<16xf32> to vector<1x16xf32>
      tpu.vector_store %arg9[%swap3A_89, %swap3A_90], %swap3A_93 {strides = array<i32>} : memref<128x128xf32, #tpu.memory_space<vmem>>, vector<1x16xf32>,
      %broadcast_in_dim3A_94 = arith.constant 0.000000e+00 : f32
      %broadcast_in_dim3A_95 = vector.broadcast %broadcast_in_dim3A_94 : f32 to vector<16xf32>
      %swap3A_96 = arith.index_cast %scan3A_53 : i32 to index
      %swap3A_97 = arith.constant 96 : index
      %swap3A_98 = tpu.vector_load %arg9[%swap3A_96, %swap3A_97] {strides = array<i32>} : memref<128x128xf32, #tpu.memory_space<vmem>>, vector<1x16xf32>,
      %swap3A_99 = vector.shape_cast %swap3A_98 : vector<1x16xf32> to vector<16xf32>
      %swap3A_100 = vector.shape_cast %broadcast_in_dim3A_95 : vector<16xf32> to vector<1x16xf32>
      tpu.vector_store %arg9[%swap3A_96, %swap3A_97], %swap3A_100 {strides = array<i32>} : memref<128x128xf32, #tpu.memory_space<vmem>>, vector<1x16xf32>,
      %broadcast_in_dim3A_101 = arith.constant 0.000000e+00 : f32
      %broadcast_in_dim3A_102 = vector.broadcast %broadcast_in_dim3A_101 : f32 to vector<16xf32>
      %swap3A_103 = arith.index_cast %scan3A_53 : i32 to index
      %swap3A_104 = arith.constant 112 : index
      %swap3A_105 = tpu.vector_load %arg9[%swap3A_103, %swap3A_104] {strides = array<i32>} : memref<128x128xf32, #tpu.memory_space<vmem>>, vector<1x16xf32>,
      %swap3A_106 = vector.shape_cast %swap3A_105 : vector<1x16xf32> to vector<16xf32>
      %swap3A_107 = vector.shape_cast %broadcast_in_dim3A_102 : vector<16xf32> to vector<1x16xf32>
      tpu.vector_store %arg9[%swap3A_103, %swap3A_104], %swap3A_107 {strides = array<i32>} : memref<128x128xf32, #tpu.memory_space<vmem>>, vector<1x16xf32>,
    }
    %scan3A_5 = arith.constant 104 : i32
    %mul3A_6 = arith.constant 624 : i32
    %mul3A_7 = arith.muli %arg1, %mul3A_6 : i32
    %add3A_8 = arith.constant 0 : i32
    %add3A_9 = arith.addi %mul3A_7, %add3A_8 : i32
    "tpu.region"() ({
      %run_scoped3A = tpu.sem_alloc : memref<!tpu.dma_semaphore, #tpu.memory_space<semaphore_mem>>
      %dma_start3A_53 = arith.constant 0 : i32
      %dma_start3A_54 = arith.constant 0 : i32
      %dma_start3A_55 = tpu.memref_slice %arg9[%dma_start3A_53, %dma_start3A_54] : memref<128x128xf32, #tpu.memory_space<vmem>> -> memref<104x128xf32, #tpu.memory_space<vmem>>
      %dma_start3A_56 = arith.constant 0 : i32
      %dma_start3A_57 = tpu.memref_slice %arg15[%add3A_9, %dma_start3A_56] : memref<10000x128xf32, #tpu.memory_space<vmem_shared>> -> memref<104x128xf32, #tpu.memory_space<vmem_shared>>
      %dma_start3A_58 = arith.constant 0 : i32
      %dma_start3A_59 = tpu.memref_slice %arg15[%add3A_9, %dma_start3A_58] : memref<10000x128xf32, #tpu.memory_space<vmem_shared>> -> memref<104x128xf32, #tpu.memory_space<vmem_shared>>
      %dma_start3A_60 = arith.constant 0 : i32
      %dma_start3A_61 = arith.constant 0 : i32
      %dma_start3A_62 = tpu.memref_slice %arg9[%dma_start3A_60, %dma_start3A_61] : memref<128x128xf32, #tpu.memory_space<vmem>> -> memref<104x128xf32, #tpu.memory_space<vmem>>
      tpu.enqueue_dma source(%dma_start3A_62 : memref<104x128xf32, #tpu.memory_space<vmem>>) target(%dma_start3A_59 : memref<104x128xf32, #tpu.memory_space<vmem_shared>>) target_semaphore(%run_scoped3A : memref<!tpu.dma_semaphore, #tpu.memory_space<semaphore_mem>>)
      %dma_wait3A_63 = arith.constant 0 : i32
      %dma_wait3A_64 = arith.constant 0 : i32
      %dma_wait3A_65 = tpu.memref_slice %arg9[%dma_wait3A_63, %dma_wait3A_64] : memref<128x128xf32, #tpu.memory_space<vmem>> -> memref<104x128xf32, #tpu.memory_space<vmem>>
      %dma_wait3A_66 = arith.constant 0 : i32
      %dma_wait3A_67 = tpu.memref_slice %arg15[%add3A_9, %dma_wait3A_66] : memref<10000x128xf32, #tpu.memory_space<vmem_shared>> -> memref<104x128xf32, #tpu.memory_space<vmem_shared>>
      %dma_wait3A_68 = arith.constant 0 : i32
      %dma_wait3A_69 = tpu.memref_slice %arg15[%add3A_9, %dma_wait3A_68] : memref<10000x128xf32, #tpu.memory_space<vmem_shared>> -> memref<104x128xf32, #tpu.memory_space<vmem_shared>>
      %dma_wait3A_70 = arith.constant 0 : i32
      %dma_wait3A_71 = arith.constant 0 : i32
      %dma_wait3A_72 = tpu.memref_slice %arg9[%dma_wait3A_70, %dma_wait3A_71] : memref<128x128xf32, #tpu.memory_space<vmem>> -> memref<104x128xf32, #tpu.memory_space<vmem>>
      tpu.wait_dma2 semaphore(%run_scoped3A : memref<!tpu.dma_semaphore, #tpu.memory_space<semaphore_mem>>) src(%dma_wait3A_72 : memref<104x128xf32, #tpu.memory_space<vmem>>) dst(%dma_wait3A_69 : memref<104x128xf32, #tpu.memory_space<vmem_shared>>)
      tpu.yield
    }) : () -> ()
    %add3A_10 = arith.constant 104 : i32
    %add3A_11 = arith.addi %mul3A_7, %add3A_10 : i32
    "tpu.region"() ({
      %run_scoped3A = tpu.sem_alloc : memref<!tpu.dma_semaphore, #tpu.memory_space<semaphore_mem>>
      %dma_start3A_53 = arith.constant 0 : i32
      %dma_start3A_54 = arith.constant 0 : i32
      %dma_start3A_55 = tpu.memref_slice %arg9[%dma_start3A_53, %dma_start3A_54] : memref<128x128xf32, #tpu.memory_space<vmem>> -> memref<104x128xf32, #tpu.memory_space<vmem>>
      %dma_start3A_56 = arith.constant 0 : i32
      %dma_start3A_57 = tpu.memref_slice %arg15[%add3A_11, %dma_start3A_56] : memref<10000x128xf32, #tpu.memory_space<vmem_shared>> -> memref<104x128xf32, #tpu.memory_space<vmem_shared>>
      %dma_start3A_58 = arith.constant 0 : i32
      %dma_start3A_59 = tpu.memref_slice %arg15[%add3A_11, %dma_start3A_58] : memref<10000x128xf32, #tpu.memory_space<vmem_shared>> -> memref<104x128xf32, #tpu.memory_space<vmem_shared>>
      %dma_start3A_60 = arith.constant 0 : i32
      %dma_start3A_61 = arith.constant 0 : i32
      %dma_start3A_62 = tpu.memref_slice %arg9[%dma_start3A_60, %dma_start3A_61] : memref<128x128xf32, #tpu.memory_space<vmem>> -> memref<104x128xf32, #tpu.memory_space<vmem>>
      tpu.enqueue_dma source(%dma_start3A_62 : memref<104x128xf32, #tpu.memory_space<vmem>>) target(%dma_start3A_59 : memref<104x128xf32, #tpu.memory_space<vmem_shared>>) target_semaphore(%run_scoped3A : memref<!tpu.dma_semaphore, #tpu.memory_space<semaphore_mem>>)
      %dma_wait3A_63 = arith.constant 0 : i32
      %dma_wait3A_64 = arith.constant 0 : i32
      %dma_wait3A_65 = tpu.memref_slice %arg9[%dma_wait3A_63, %dma_wait3A_64] : memref<128x128xf32, #tpu.memory_space<vmem>> -> memref<104x128xf32, #tpu.memory_space<vmem>>
      %dma_wait3A_66 = arith.constant 0 : i32
      %dma_wait3A_67 = tpu.memref_slice %arg15[%add3A_11, %dma_wait3A_66] : memref<10000x128xf32, #tpu.memory_space<vmem_shared>> -> memref<104x128xf32, #tpu.memory_space<vmem_shared>>
      %dma_wait3A_68 = arith.constant 0 : i32
      %dma_wait3A_69 = tpu.memref_slice %arg15[%add3A_11, %dma_wait3A_68] : memref<10000x128xf32, #tpu.memory_space<vmem_shared>> -> memref<104x128xf32, #tpu.memory_space<vmem_shared>>
      %dma_wait3A_70 = arith.constant 0 : i32
      %dma_wait3A_71 = arith.constant 0 : i32
      %dma_wait3A_72 = tpu.memref_slice %arg9[%dma_wait3A_70, %dma_wait3A_71] : memref<128x128xf32, #tpu.memory_space<vmem>> -> memref<104x128xf32, #tpu.memory_space<vmem>>
      tpu.wait_dma2 semaphore(%run_scoped3A : memref<!tpu.dma_semaphore, #tpu.memory_space<semaphore_mem>>) src(%dma_wait3A_72 : memref<104x128xf32, #tpu.memory_space<vmem>>) dst(%dma_wait3A_69 : memref<104x128xf32, #tpu.memory_space<vmem_shared>>)
      tpu.yield
    }) : () -> ()
    %add3A_12 = arith.constant 208 : i32
    %add3A_13 = arith.addi %mul3A_7, %add3A_12 : i32
    "tpu.region"() ({
      %run_scoped3A = tpu.sem_alloc : memref<!tpu.dma_semaphore, #tpu.memory_space<semaphore_mem>>
      %dma_start3A_53 = arith.constant 0 : i32
      %dma_start3A_54 = arith.constant 0 : i32
      %dma_start3A_55 = tpu.memref_slice %arg9[%dma_start3A_53, %dma_start3A_54] : memref<128x128xf32, #tpu.memory_space<vmem>> -> memref<104x128xf32, #tpu.memory_space<vmem>>
      %dma_start3A_56 = arith.constant 0 : i32
      %dma_start3A_57 = tpu.memref_slice %arg15[%add3A_13, %dma_start3A_56] : memref<10000x128xf32, #tpu.memory_space<vmem_shared>> -> memref<104x128xf32, #tpu.memory_space<vmem_shared>>
      %dma_start3A_58 = arith.constant 0 : i32
      %dma_start3A_59 = tpu.memref_slice %arg15[%add3A_13, %dma_start3A_58] : memref<10000x128xf32, #tpu.memory_space<vmem_shared>> -> memref<104x128xf32, #tpu.memory_space<vmem_shared>>
      %dma_start3A_60 = arith.constant 0 : i32
      %dma_start3A_61 = arith.constant 0 : i32
      %dma_start3A_62 = tpu.memref_slice %arg9[%dma_start3A_60, %dma_start3A_61] : memref<128x128xf32, #tpu.memory_space<vmem>> -> memref<104x128xf32, #tpu.memory_space<vmem>>
      tpu.enqueue_dma source(%dma_start3A_62 : memref<104x128xf32, #tpu.memory_space<vmem>>) target(%dma_start3A_59 : memref<104x128xf32, #tpu.memory_space<vmem_shared>>) target_semaphore(%run_scoped3A : memref<!tpu.dma_semaphore, #tpu.memory_space<semaphore_mem>>)
      %dma_wait3A_63 = arith.constant 0 : i32
      %dma_wait3A_64 = arith.constant 0 : i32
      %dma_wait3A_65 = tpu.memref_slice %arg9[%dma_wait3A_63, %dma_wait3A_64] : memref<128x128xf32, #tpu.memory_space<vmem>> -> memref<104x128xf32, #tpu.memory_space<vmem>>
      %dma_wait3A_66 = arith.constant 0 : i32
      %dma_wait3A_67 = tpu.memref_slice %arg15[%add3A_13, %dma_wait3A_66] : memref<10000x128xf32, #tpu.memory_space<vmem_shared>> -> memref<104x128xf32, #tpu.memory_space<vmem_shared>>
      %dma_wait3A_68 = arith.constant 0 : i32
      %dma_wait3A_69 = tpu.memref_slice %arg15[%add3A_13, %dma_wait3A_68] : memref<10000x128xf32, #tpu.memory_space<vmem_shared>> -> memref<104x128xf32, #tpu.memory_space<vmem_shared>>
      %dma_wait3A_70 = arith.constant 0 : i32
      %dma_wait3A_71 = arith.constant 0 : i32
      %dma_wait3A_72 = tpu.memref_slice %arg9[%dma_wait3A_70, %dma_wait3A_71] : memref<128x128xf32, #tpu.memory_space<vmem>> -> memref<104x128xf32, #tpu.memory_space<vmem>>
      tpu.wait_dma2 semaphore(%run_scoped3A : memref<!tpu.dma_semaphore, #tpu.memory_space<semaphore_mem>>) src(%dma_wait3A_72 : memref<104x128xf32, #tpu.memory_space<vmem>>) dst(%dma_wait3A_69 : memref<104x128xf32, #tpu.memory_space<vmem_shared>>)
      tpu.yield
    }) : () -> ()
    %add3A_14 = arith.constant 312 : i32
    %add3A_15 = arith.addi %mul3A_7, %add3A_14 : i32
    "tpu.region"() ({
      %run_scoped3A = tpu.sem_alloc : memref<!tpu.dma_semaphore, #tpu.memory_space<semaphore_mem>>
      %dma_start3A_53 = arith.constant 0 : i32
      %dma_start3A_54 = arith.constant 0 : i32
      %dma_start3A_55 = tpu.memref_slice %arg9[%dma_start3A_53, %dma_start3A_54] : memref<128x128xf32, #tpu.memory_space<vmem>> -> memref<104x128xf32, #tpu.memory_space<vmem>>
      %dma_start3A_56 = arith.constant 0 : i32
      %dma_start3A_57 = tpu.memref_slice %arg15[%add3A_15, %dma_start3A_56] : memref<10000x128xf32, #tpu.memory_space<vmem_shared>> -> memref<104x128xf32, #tpu.memory_space<vmem_shared>>
      %dma_start3A_58 = arith.constant 0 : i32
      %dma_start3A_59 = tpu.memref_slice %arg15[%add3A_15, %dma_start3A_58] : memref<10000x128xf32, #tpu.memory_space<vmem_shared>> -> memref<104x128xf32, #tpu.memory_space<vmem_shared>>
      %dma_start3A_60 = arith.constant 0 : i32
      %dma_start3A_61 = arith.constant 0 : i32
      %dma_start3A_62 = tpu.memref_slice %arg9[%dma_start3A_60, %dma_start3A_61] : memref<128x128xf32, #tpu.memory_space<vmem>> -> memref<104x128xf32, #tpu.memory_space<vmem>>
      tpu.enqueue_dma source(%dma_start3A_62 : memref<104x128xf32, #tpu.memory_space<vmem>>) target(%dma_start3A_59 : memref<104x128xf32, #tpu.memory_space<vmem_shared>>) target_semaphore(%run_scoped3A : memref<!tpu.dma_semaphore, #tpu.memory_space<semaphore_mem>>)
      %dma_wait3A_63 = arith.constant 0 : i32
      %dma_wait3A_64 = arith.constant 0 : i32
      %dma_wait3A_65 = tpu.memref_slice %arg9[%dma_wait3A_63, %dma_wait3A_64] : memref<128x128xf32, #tpu.memory_space<vmem>> -> memref<104x128xf32, #tpu.memory_space<vmem>>
      %dma_wait3A_66 = arith.constant 0 : i32
      %dma_wait3A_67 = tpu.memref_slice %arg15[%add3A_15, %dma_wait3A_66] : memref<10000x128xf32, #tpu.memory_space<vmem_shared>> -> memref<104x128xf32, #tpu.memory_space<vmem_shared>>
      %dma_wait3A_68 = arith.constant 0 : i32
      %dma_wait3A_69 = tpu.memref_slice %arg15[%add3A_15, %dma_wait3A_68] : memref<10000x128xf32, #tpu.memory_space<vmem_shared>> -> memref<104x128xf32, #tpu.memory_space<vmem_shared>>
      %dma_wait3A_70 = arith.constant 0 : i32
      %dma_wait3A_71 = arith.constant 0 : i32
      %dma_wait3A_72 = tpu.memref_slice %arg9[%dma_wait3A_70, %dma_wait3A_71] : memref<128x128xf32, #tpu.memory_space<vmem>> -> memref<104x128xf32, #tpu.memory_space<vmem>>
      tpu.wait_dma2 semaphore(%run_scoped3A : memref<!tpu.dma_semaphore, #tpu.memory_space<semaphore_mem>>) src(%dma_wait3A_72 : memref<104x128xf32, #tpu.memory_space<vmem>>) dst(%dma_wait3A_69 : memref<104x128xf32, #tpu.memory_space<vmem_shared>>)
      tpu.yield
    }) : () -> ()
    %add3A_16 = arith.constant 416 : i32
    %add3A_17 = arith.addi %mul3A_7, %add3A_16 : i32
    "tpu.region"() ({
      %run_scoped3A = tpu.sem_alloc : memref<!tpu.dma_semaphore, #tpu.memory_space<semaphore_mem>>
      %dma_start3A_53 = arith.constant 0 : i32
      %dma_start3A_54 = arith.constant 0 : i32
      %dma_start3A_55 = tpu.memref_slice %arg9[%dma_start3A_53, %dma_start3A_54] : memref<128x128xf32, #tpu.memory_space<vmem>> -> memref<104x128xf32, #tpu.memory_space<vmem>>
      %dma_start3A_56 = arith.constant 0 : i32
      %dma_start3A_57 = tpu.memref_slice %arg15[%add3A_17, %dma_start3A_56] : memref<10000x128xf32, #tpu.memory_space<vmem_shared>> -> memref<104x128xf32, #tpu.memory_space<vmem_shared>>
      %dma_start3A_58 = arith.constant 0 : i32
      %dma_start3A_59 = tpu.memref_slice %arg15[%add3A_17, %dma_start3A_58] : memref<10000x128xf32, #tpu.memory_space<vmem_shared>> -> memref<104x128xf32, #tpu.memory_space<vmem_shared>>
      %dma_start3A_60 = arith.constant 0 : i32
      %dma_start3A_61 = arith.constant 0 : i32
      %dma_start3A_62 = tpu.memref_slice %arg9[%dma_start3A_60, %dma_start3A_61] : memref<128x128xf32, #tpu.memory_space<vmem>> -> memref<104x128xf32, #tpu.memory_space<vmem>>
      tpu.enqueue_dma source(%dma_start3A_62 : memref<104x128xf32, #tpu.memory_space<vmem>>) target(%dma_start3A_59 : memref<104x128xf32, #tpu.memory_space<vmem_shared>>) target_semaphore(%run_scoped3A : memref<!tpu.dma_semaphore, #tpu.memory_space<semaphore_mem>>)
      %dma_wait3A_63 = arith.constant 0 : i32
      %dma_wait3A_64 = arith.constant 0 : i32
      %dma_wait3A_65 = tpu.memref_slice %arg9[%dma_wait3A_63, %dma_wait3A_64] : memref<128x128xf32, #tpu.memory_space<vmem>> -> memref<104x128xf32, #tpu.memory_space<vmem>>
      %dma_wait3A_66 = arith.constant 0 : i32
      %dma_wait3A_67 = tpu.memref_slice %arg15[%add3A_17, %dma_wait3A_66] : memref<10000x128xf32, #tpu.memory_space<vmem_shared>> -> memref<104x128xf32, #tpu.memory_space<vmem_shared>>
      %dma_wait3A_68 = arith.constant 0 : i32
      %dma_wait3A_69 = tpu.memref_slice %arg15[%add3A_17, %dma_wait3A_68] : memref<10000x128xf32, #tpu.memory_space<vmem_shared>> -> memref<104x128xf32, #tpu.memory_space<vmem_shared>>
      %dma_wait3A_70 = arith.constant 0 : i32
      %dma_wait3A_71 = arith.constant 0 : i32
      %dma_wait3A_72 = tpu.memref_slice %arg9[%dma_wait3A_70, %dma_wait3A_71] : memref<128x128xf32, #tpu.memory_space<vmem>> -> memref<104x128xf32, #tpu.memory_space<vmem>>
      tpu.wait_dma2 semaphore(%run_scoped3A : memref<!tpu.dma_semaphore, #tpu.memory_space<semaphore_mem>>) src(%dma_wait3A_72 : memref<104x128xf32, #tpu.memory_space<vmem>>) dst(%dma_wait3A_69 : memref<104x128xf32, #tpu.memory_space<vmem_shared>>)
      tpu.yield
    }) : () -> ()
    %add3A_18 = arith.constant 520 : i32
    %add3A_19 = arith.addi %mul3A_7, %add3A_18 : i32
    "tpu.region"() ({
      %run_scoped3A = tpu.sem_alloc : memref<!tpu.dma_semaphore, #tpu.memory_space<semaphore_mem>>
      %dma_start3A_53 = arith.constant 0 : i32
      %dma_start3A_54 = arith.constant 0 : i32
      %dma_start3A_55 = tpu.memref_slice %arg9[%dma_start3A_53, %dma_start3A_54] : memref<128x128xf32, #tpu.memory_space<vmem>> -> memref<104x128xf32, #tpu.memory_space<vmem>>
      %dma_start3A_56 = arith.constant 0 : i32
      %dma_start3A_57 = tpu.memref_slice %arg15[%add3A_19, %dma_start3A_56] : memref<10000x128xf32, #tpu.memory_space<vmem_shared>> -> memref<104x128xf32, #tpu.memory_space<vmem_shared>>
      %dma_start3A_58 = arith.constant 0 : i32
      %dma_start3A_59 = tpu.memref_slice %arg15[%add3A_19, %dma_start3A_58] : memref<10000x128xf32, #tpu.memory_space<vmem_shared>> -> memref<104x128xf32, #tpu.memory_space<vmem_shared>>
      %dma_start3A_60 = arith.constant 0 : i32
      %dma_start3A_61 = arith.constant 0 : i32
      %dma_start3A_62 = tpu.memref_slice %arg9[%dma_start3A_60, %dma_start3A_61] : memref<128x128xf32, #tpu.memory_space<vmem>> -> memref<104x128xf32, #tpu.memory_space<vmem>>
      tpu.enqueue_dma source(%dma_start3A_62 : memref<104x128xf32, #tpu.memory_space<vmem>>) target(%dma_start3A_59 : memref<104x128xf32, #tpu.memory_space<vmem_shared>>) target_semaphore(%run_scoped3A : memref<!tpu.dma_semaphore, #tpu.memory_space<semaphore_mem>>)
      %dma_wait3A_63 = arith.constant 0 : i32
      %dma_wait3A_64 = arith.constant 0 : i32
      %dma_wait3A_65 = tpu.memref_slice %arg9[%dma_wait3A_63, %dma_wait3A_64] : memref<128x128xf32, #tpu.memory_space<vmem>> -> memref<104x128xf32, #tpu.memory_space<vmem>>
      %dma_wait3A_66 = arith.constant 0 : i32
      %dma_wait3A_67 = tpu.memref_slice %arg15[%add3A_19, %dma_wait3A_66] : memref<10000x128xf32, #tpu.memory_space<vmem_shared>> -> memref<104x128xf32, #tpu.memory_space<vmem_shared>>
      %dma_wait3A_68 = arith.constant 0 : i32
      %dma_wait3A_69 = tpu.memref_slice %arg15[%add3A_19, %dma_wait3A_68] : memref<10000x128xf32, #tpu.memory_space<vmem_shared>> -> memref<104x128xf32, #tpu.memory_space<vmem_shared>>
      %dma_wait3A_70 = arith.constant 0 : i32
      %dma_wait3A_71 = arith.constant 0 : i32
      %dma_wait3A_72 = tpu.memref_slice %arg9[%dma_wait3A_70, %dma_wait3A_71] : memref<128x128xf32, #tpu.memory_space<vmem>> -> memref<104x128xf32, #tpu.memory_space<vmem>>
      tpu.wait_dma2 semaphore(%run_scoped3A : memref<!tpu.dma_semaphore, #tpu.memory_space<semaphore_mem>>) src(%dma_wait3A_72 : memref<104x128xf32, #tpu.memory_space<vmem>>) dst(%dma_wait3A_69 : memref<104x128xf32, #tpu.memory_space<vmem_shared>>)
      tpu.yield
    }) : () -> ()
    %eq3A = arith.constant 15 : i32
    %eq3A_20 = arith.cmpi eq, %arg1, %eq3A : i32
    %convert_element_type3A = arith.extui %eq3A_20 : i1 to i32
    %cond3A = arith.constant 0 : i32
    %cond3A_21 = arith.cmpi ne, %convert_element_type3A, %cond3A : i32
    scf.if %cond3A_21 {
      "tpu.region"() ({
        %run_scoped3A = tpu.sem_alloc : memref<!tpu.dma_semaphore, #tpu.memory_space<semaphore_mem>>
        %dma_start3A_53 = arith.constant 0 : i32
        %dma_start3A_54 = arith.constant 0 : i32
        %dma_start3A_55 = tpu.memref_slice %arg9[%dma_start3A_53, %dma_start3A_54] : memref<128x128xf32, #tpu.memory_space<vmem>> -> memref<16x128xf32, #tpu.memory_space<vmem>>
        %dma_start3A_56 = arith.constant 9984 : i32
        %dma_start3A_57 = arith.constant 0 : i32
        %dma_start3A_58 = tpu.memref_slice %arg15[%dma_start3A_56, %dma_start3A_57] : memref<10000x128xf32, #tpu.memory_space<vmem_shared>> -> memref<16x128xf32, #tpu.memory_space<vmem_shared>>
        %dma_start3A_59 = arith.constant 9984 : i32
        %dma_start3A_60 = arith.constant 0 : i32
        %dma_start3A_61 = tpu.memref_slice %arg15[%dma_start3A_59, %dma_start3A_60] : memref<10000x128xf32, #tpu.memory_space<vmem_shared>> -> memref<16x128xf32, #tpu.memory_space<vmem_shared>>
        %dma_start3A_62 = arith.constant 0 : i32
        %dma_start3A_63 = arith.constant 0 : i32
        %dma_start3A_64 = tpu.memref_slice %arg9[%dma_start3A_62, %dma_start3A_63] : memref<128x128xf32, #tpu.memory_space<vmem>> -> memref<16x128xf32, #tpu.memory_space<vmem>>
        tpu.enqueue_dma source(%dma_start3A_64 : memref<16x128xf32, #tpu.memory_space<vmem>>) target(%dma_start3A_61 : memref<16x128xf32, #tpu.memory_space<vmem_shared>>) target_semaphore(%run_scoped3A : memref<!tpu.dma_semaphore, #tpu.memory_space<semaphore_mem>>)
        %dma_wait3A_65 = arith.constant 0 : i32
        %dma_wait3A_66 = arith.constant 0 : i32
        %dma_wait3A_67 = tpu.memref_slice %arg9[%dma_wait3A_65, %dma_wait3A_66] : memref<128x128xf32, #tpu.memory_space<vmem>> -> memref<16x128xf32, #tpu.memory_space<vmem>>
        %dma_wait3A_68 = arith.constant 9984 : i32
        %dma_wait3A_69 = arith.constant 0 : i32
        %dma_wait3A_70 = tpu.memref_slice %arg15[%dma_wait3A_68, %dma_wait3A_69] : memref<10000x128xf32, #tpu.memory_space<vmem_shared>> -> memref<16x128xf32, #tpu.memory_space<vmem_shared>>
        %dma_wait3A_71 = arith.constant 9984 : i32
        %dma_wait3A_72 = arith.constant 0 : i32
        %dma_wait3A_73 = tpu.memref_slice %arg15[%dma_wait3A_71, %dma_wait3A_72] : memref<10000x128xf32, #tpu.memory_space<vmem_shared>> -> memref<16x128xf32, #tpu.memory_space<vmem_shared>>
        %dma_wait3A_74 = arith.constant 0 : i32
        %dma_wait3A_75 = arith.constant 0 : i32
        %dma_wait3A_76 = tpu.memref_slice %arg9[%dma_wait3A_74, %dma_wait3A_75] : memref<128x128xf32, #tpu.memory_space<vmem>> -> memref<16x128xf32, #tpu.memory_space<vmem>>
        tpu.wait_dma2 semaphore(%run_scoped3A : memref<!tpu.dma_semaphore, #tpu.memory_space<semaphore_mem>>) src(%dma_wait3A_76 : memref<16x128xf32, #tpu.memory_space<vmem>>) dst(%dma_wait3A_73 : memref<16x128xf32, #tpu.memory_space<vmem_shared>>)
        tpu.yield
      }) : () -> ()
    } else {
    }
    %barrier3A = arith.constant 0 : index
    tpu.barrier barrier_id(%barrier3A)
    %mul3A_22 = arith.constant 10000 : i32
    %mul3A_23 = arith.muli %add3A, %mul3A_22 : i32
    %scan3A_24 = arith.constant 0 : i32
    %scan3A_25 = arith.constant 0 : i32
    %scan3A_26 = arith.constant 78 : i32
    %scan3A_27 = arith.addi %scan3A_25, %scan3A_26 : i32
    %scan3A_28 = arith.constant 1 : i32
    scf.for %scan3A_53 = %scan3A_25 to %scan3A_27 step %scan3A_28  : i32 {
      %mul3A_54 = arith.constant 128 : i32
      %mul3A_55 = arith.muli %scan3A_53, %mul3A_54 : i32
      %add3A_56 = arith.addi %mul3A_23, %mul3A_55 : i32
      "tpu.region"() ({
        %run_scoped3A = tpu.sem_alloc : memref<!tpu.dma_semaphore, #tpu.memory_space<semaphore_mem>>
        %dma_start3A_69 = tpu.memref_slice %arg3[%add3A_56] : memref<320000xi32, #tpu.memory_space<hbm>> -> memref<128xi32, #tpu.memory_space<hbm>>
        %dma_start3A_70 = tpu.memref_slice %arg3[%add3A_56] : memref<320000xi32, #tpu.memory_space<hbm>> -> memref<128xi32, #tpu.memory_space<hbm>>
        tpu.enqueue_dma source(%dma_start3A_70 : memref<128xi32, #tpu.memory_space<hbm>>) target(%arg7 : memref<128xi32, #tpu.memory_space<vmem>>) target_semaphore(%run_scoped3A : memref<!tpu.dma_semaphore, #tpu.memory_space<semaphore_mem>>)
        %dma_wait3A_71 = tpu.memref_slice %arg3[%add3A_56] : memref<320000xi32, #tpu.memory_space<hbm>> -> memref<128xi32, #tpu.memory_space<hbm>>
        %dma_wait3A_72 = tpu.memref_slice %arg3[%add3A_56] : memref<320000xi32, #tpu.memory_space<hbm>> -> memref<128xi32, #tpu.memory_space<hbm>>
        tpu.wait_dma2 semaphore(%run_scoped3A : memref<!tpu.dma_semaphore, #tpu.memory_space<semaphore_mem>>) src(%dma_wait3A_72 : memref<128xi32, #tpu.memory_space<hbm>>) dst(%arg7 : memref<128xi32, #tpu.memory_space<vmem>>)
        tpu.yield
      }) : () -> ()
      "tpu.region"() ({
        %run_scoped3A = tpu.sem_alloc : memref<!tpu.dma_semaphore, #tpu.memory_space<semaphore_mem>>
        %dma_start3A_69 = tpu.memref_slice %arg4[%add3A_56] : memref<320000xi32, #tpu.memory_space<hbm>> -> memref<128xi32, #tpu.memory_space<hbm>>
        %dma_start3A_70 = tpu.memref_slice %arg4[%add3A_56] : memref<320000xi32, #tpu.memory_space<hbm>> -> memref<128xi32, #tpu.memory_space<hbm>>
        tpu.enqueue_dma source(%dma_start3A_70 : memref<128xi32, #tpu.memory_space<hbm>>) target(%arg8 : memref<128xi32, #tpu.memory_space<vmem>>) target_semaphore(%run_scoped3A : memref<!tpu.dma_semaphore, #tpu.memory_space<semaphore_mem>>)
        %dma_wait3A_71 = tpu.memref_slice %arg4[%add3A_56] : memref<320000xi32, #tpu.memory_space<hbm>> -> memref<128xi32, #tpu.memory_space<hbm>>
        %dma_wait3A_72 = tpu.memref_slice %arg4[%add3A_56] : memref<320000xi32, #tpu.memory_space<hbm>> -> memref<128xi32, #tpu.memory_space<hbm>>
        tpu.wait_dma2 semaphore(%run_scoped3A : memref<!tpu.dma_semaphore, #tpu.memory_space<semaphore_mem>>) src(%dma_wait3A_72 : memref<128xi32, #tpu.memory_space<hbm>>) dst(%arg8 : memref<128xi32, #tpu.memory_space<vmem>>)
        tpu.yield
      }) : () -> ()
      %dma_start3A_57 = arith.constant 0 : i32
      %dma_start3A_58 = arith.constant 0 : i32
      %dma_start3A_59 = tpu.memref_slice %arg2[%dma_start3A_57, %dma_start3A_58] : memref<10000x128xf32, #tpu.memory_space<hbm>> -> memref<10000x128xf32, #tpu.memory_space<hbm>>
      tpu.enqueue_indirect_dma source(%dma_start3A_59 : memref<10000x128xf32, #tpu.memory_space<hbm>>) target(%arg9 : memref<128x128xf32, #tpu.memory_space<vmem>>) offsets(%arg7 : memref<128xi32, #tpu.memory_space<vmem>>) semaphore(%arg16 : memref<!tpu.dma_semaphore, #tpu.memory_space<semaphore_mem>>)
      "tpu.region"() ({
        %run_scoped3A = tpu.sem_alloc : memref<!tpu.dma_semaphore, #tpu.memory_space<semaphore_mem>>
        %dma_start3A_69 = arith.constant 0 : i32
        %dma_start3A_70 = tpu.memref_slice %arg5[%add3A_56, %dma_start3A_69] : memref<320000x128xf32, #tpu.memory_space<hbm>> -> memref<128x128xf32, #tpu.memory_space<hbm>>
        %dma_start3A_71 = arith.constant 0 : i32
        %dma_start3A_72 = tpu.memref_slice %arg5[%add3A_56, %dma_start3A_71] : memref<320000x128xf32, #tpu.memory_space<hbm>> -> memref<128x128xf32, #tpu.memory_space<hbm>>
        tpu.enqueue_dma source(%dma_start3A_72 : memref<128x128xf32, #tpu.memory_space<hbm>>) target(%arg10 : memref<128x128xf32, #tpu.memory_space<vmem>>) target_semaphore(%run_scoped3A : memref<!tpu.dma_semaphore, #tpu.memory_space<semaphore_mem>>)
        %dma_wait3A_73 = arith.constant 0 : i32
        %dma_wait3A_74 = tpu.memref_slice %arg5[%add3A_56, %dma_wait3A_73] : memref<320000x128xf32, #tpu.memory_space<hbm>> -> memref<128x128xf32, #tpu.memory_space<hbm>>
        %dma_wait3A_75 = arith.constant 0 : i32
        %dma_wait3A_76 = tpu.memref_slice %arg5[%add3A_56, %dma_wait3A_75] : memref<320000x128xf32, #tpu.memory_space<hbm>> -> memref<128x128xf32, #tpu.memory_space<hbm>>
        tpu.wait_dma2 semaphore(%run_scoped3A : memref<!tpu.dma_semaphore, #tpu.memory_space<semaphore_mem>>) src(%dma_wait3A_76 : memref<128x128xf32, #tpu.memory_space<hbm>>) dst(%arg10 : memref<128x128xf32, #tpu.memory_space<vmem>>)
        tpu.yield
      }) : () -> ()
      %dma_wait3A_60 = arith.constant 0 : i32
      %dma_wait3A_61 = arith.constant 0 : i32
      %dma_wait3A_62 = tpu.memref_slice %arg2[%dma_wait3A_60, %dma_wait3A_61] : memref<10000x128xf32, #tpu.memory_space<hbm>> -> memref<10000x128xf32, #tpu.memory_space<hbm>>
      tpu.wait_indirect_dma semaphore(%arg16 : memref<!tpu.dma_semaphore, #tpu.memory_space<semaphore_mem>>) src(%dma_wait3A_62 : memref<10000x128xf32, #tpu.memory_space<hbm>>) dst(%arg9 : memref<128x128xf32, #tpu.memory_space<vmem>>)
      %scan3A_63 = arith.constant 0 : i32
      %scan3A_64 = arith.constant 0 : i32
      %scan3A_65 = arith.constant 128 : i32
      %scan3A_66 = arith.addi %scan3A_64, %scan3A_65 : i32
      %scan3A_67 = arith.constant 2 : i32
      scf.for %scan3A_69 = %scan3A_64 to %scan3A_66 step %scan3A_67  : i32 {
        %get3A = arith.index_cast %scan3A_69 : i32 to index
        %get3A_70 = arith.constant 0 : index
        %get3A_71 = tpu.vector_load %arg9[%get3A, %get3A_70] {strides = array<i32>} : memref<128x128xf32, #tpu.memory_space<vmem>>, vector<1x16xf32>,
        %get3A_72 = vector.shape_cast %get3A_71 : vector<1x16xf32> to vector<16xf32>
        %get3A_73 = arith.index_cast %scan3A_69 : i32 to index
        %get3A_74 = arith.constant 0 : index
        %get3A_75 = tpu.vector_load %arg10[%get3A_73, %get3A_74] {strides = array<i32>} : memref<128x128xf32, #tpu.memory_space<vmem>>, vector<1x16xf32>,
        %get3A_76 = vector.shape_cast %get3A_75 : vector<1x16xf32> to vector<16xf32>
        %add3A_77 = arith.addf %get3A_72, %get3A_76 : vector<16xf32>
        %max3A = arith.constant 0.000000e+00 : f32
        %max3A_78 = vector.broadcast %max3A : f32 to vector<16xf32>
        %max3A_79 = arith.maximumf %add3A_77, %max3A_78 : vector<16xf32>
        %swap3A = arith.index_cast %scan3A_69 : i32 to index
        %swap3A_80 = arith.constant 0 : index
        %swap3A_81 = tpu.vector_load %arg10[%swap3A, %swap3A_80] {strides = array<i32>} : memref<128x128xf32, #tpu.memory_space<vmem>>, vector<1x16xf32>,
        %swap3A_82 = vector.shape_cast %swap3A_81 : vector<1x16xf32> to vector<16xf32>
        %swap3A_83 = vector.shape_cast %max3A_79 : vector<16xf32> to vector<1x16xf32>
        tpu.vector_store %arg10[%swap3A, %swap3A_80], %swap3A_83 {strides = array<i32>} : memref<128x128xf32, #tpu.memory_space<vmem>>, vector<1x16xf32>,
        %get3A_84 = arith.index_cast %scan3A_69 : i32 to index
        %get3A_85 = arith.constant 16 : index
        %get3A_86 = tpu.vector_load %arg9[%get3A_84, %get3A_85] {strides = array<i32>} : memref<128x128xf32, #tpu.memory_space<vmem>>, vector<1x16xf32>,
        %get3A_87 = vector.shape_cast %get3A_86 : vector<1x16xf32> to vector<16xf32>
        %get3A_88 = arith.index_cast %scan3A_69 : i32 to index
        %get3A_89 = arith.constant 16 : index
        %get3A_90 = tpu.vector_load %arg10[%get3A_88, %get3A_89] {strides = array<i32>} : memref<128x128xf32, #tpu.memory_space<vmem>>, vector<1x16xf32>,
        %get3A_91 = vector.shape_cast %get3A_90 : vector<1x16xf32> to vector<16xf32>
        %add3A_92 = arith.addf %get3A_87, %get3A_91 : vector<16xf32>
        %max3A_93 = arith.constant 0.000000e+00 : f32
        %max3A_94 = vector.broadcast %max3A_93 : f32 to vector<16xf32>
        %max3A_95 = arith.maximumf %add3A_92, %max3A_94 : vector<16xf32>
        %swap3A_96 = arith.index_cast %scan3A_69 : i32 to index
        %swap3A_97 = arith.constant 16 : index
        %swap3A_98 = tpu.vector_load %arg10[%swap3A_96, %swap3A_97] {strides = array<i32>} : memref<128x128xf32, #tpu.memory_space<vmem>>, vector<1x16xf32>,
        %swap3A_99 = vector.shape_cast %swap3A_98 : vector<1x16xf32> to vector<16xf32>
        %swap3A_100 = vector.shape_cast %max3A_95 : vector<16xf32> to vector<1x16xf32>
        tpu.vector_store %arg10[%swap3A_96, %swap3A_97], %swap3A_100 {strides = array<i32>} : memref<128x128xf32, #tpu.memory_space<vmem>>, vector<1x16xf32>,
        %get3A_101 = arith.index_cast %scan3A_69 : i32 to index
        %get3A_102 = arith.constant 32 : index
        %get3A_103 = tpu.vector_load %arg9[%get3A_101, %get3A_102] {strides = array<i32>} : memref<128x128xf32, #tpu.memory_space<vmem>>, vector<1x16xf32>,
        %get3A_104 = vector.shape_cast %get3A_103 : vector<1x16xf32> to vector<16xf32>
        %get3A_105 = arith.index_cast %scan3A_69 : i32 to index
        %get3A_106 = arith.constant 32 : index
        %get3A_107 = tpu.vector_load %arg10[%get3A_105, %get3A_106] {strides = array<i32>} : memref<128x128xf32, #tpu.memory_space<vmem>>, vector<1x16xf32>,
        %get3A_108 = vector.shape_cast %get3A_107 : vector<1x16xf32> to vector<16xf32>
        %add3A_109 = arith.addf %get3A_104, %get3A_108 : vector<16xf32>
        %max3A_110 = arith.constant 0.000000e+00 : f32
        %max3A_111 = vector.broadcast %max3A_110 : f32 to vector<16xf32>
        %max3A_112 = arith.maximumf %add3A_109, %max3A_111 : vector<16xf32>
        %swap3A_113 = arith.index_cast %scan3A_69 : i32 to index
        %swap3A_114 = arith.constant 32 : index
        %swap3A_115 = tpu.vector_load %arg10[%swap3A_113, %swap3A_114] {strides = array<i32>} : memref<128x128xf32, #tpu.memory_space<vmem>>, vector<1x16xf32>,
        %swap3A_116 = vector.shape_cast %swap3A_115 : vector<1x16xf32> to vector<16xf32>
        %swap3A_117 = vector.shape_cast %max3A_112 : vector<16xf32> to vector<1x16xf32>
        tpu.vector_store %arg10[%swap3A_113, %swap3A_114], %swap3A_117 {strides = array<i32>} : memref<128x128xf32, #tpu.memory_space<vmem>>, vector<1x16xf32>,
        %get3A_118 = arith.index_cast %scan3A_69 : i32 to index
        %get3A_119 = arith.constant 48 : index
        %get3A_120 = tpu.vector_load %arg9[%get3A_118, %get3A_119] {strides = array<i32>} : memref<128x128xf32, #tpu.memory_space<vmem>>, vector<1x16xf32>,
        %get3A_121 = vector.shape_cast %get3A_120 : vector<1x16xf32> to vector<16xf32>
        %get3A_122 = arith.index_cast %scan3A_69 : i32 to index
        %get3A_123 = arith.constant 48 : index
        %get3A_124 = tpu.vector_load %arg10[%get3A_122, %get3A_123] {strides = array<i32>} : memref<128x128xf32, #tpu.memory_space<vmem>>, vector<1x16xf32>,
        %get3A_125 = vector.shape_cast %get3A_124 : vector<1x16xf32> to vector<16xf32>
        %add3A_126 = arith.addf %get3A_121, %get3A_125 : vector<16xf32>
        %max3A_127 = arith.constant 0.000000e+00 : f32
        %max3A_128 = vector.broadcast %max3A_127 : f32 to vector<16xf32>
        %max3A_129 = arith.maximumf %add3A_126, %max3A_128 : vector<16xf32>
        %swap3A_130 = arith.index_cast %scan3A_69 : i32 to index
        %swap3A_131 = arith.constant 48 : index
        %swap3A_132 = tpu.vector_load %arg10[%swap3A_130, %swap3A_131] {strides = array<i32>} : memref<128x128xf32, #tpu.memory_space<vmem>>, vector<1x16xf32>,
        %swap3A_133 = vector.shape_cast %swap3A_132 : vector<1x16xf32> to vector<16xf32>
        %swap3A_134 = vector.shape_cast %max3A_129 : vector<16xf32> to vector<1x16xf32>
        tpu.vector_store %arg10[%swap3A_130, %swap3A_131], %swap3A_134 {strides = array<i32>} : memref<128x128xf32, #tpu.memory_space<vmem>>, vector<1x16xf32>,
        %get3A_135 = arith.index_cast %scan3A_69 : i32 to index
        %get3A_136 = arith.constant 64 : index
        %get3A_137 = tpu.vector_load %arg9[%get3A_135, %get3A_136] {strides = array<i32>} : memref<128x128xf32, #tpu.memory_space<vmem>>, vector<1x16xf32>,
        %get3A_138 = vector.shape_cast %get3A_137 : vector<1x16xf32> to vector<16xf32>
        %get3A_139 = arith.index_cast %scan3A_69 : i32 to index
        %get3A_140 = arith.constant 64 : index
        %get3A_141 = tpu.vector_load %arg10[%get3A_139, %get3A_140] {strides = array<i32>} : memref<128x128xf32, #tpu.memory_space<vmem>>, vector<1x16xf32>,
        %get3A_142 = vector.shape_cast %get3A_141 : vector<1x16xf32> to vector<16xf32>
        %add3A_143 = arith.addf %get3A_138, %get3A_142 : vector<16xf32>
        %max3A_144 = arith.constant 0.000000e+00 : f32
        %max3A_145 = vector.broadcast %max3A_144 : f32 to vector<16xf32>
        %max3A_146 = arith.maximumf %add3A_143, %max3A_145 : vector<16xf32>
        %swap3A_147 = arith.index_cast %scan3A_69 : i32 to index
        %swap3A_148 = arith.constant 64 : index
        %swap3A_149 = tpu.vector_load %arg10[%swap3A_147, %swap3A_148] {strides = array<i32>} : memref<128x128xf32, #tpu.memory_space<vmem>>, vector<1x16xf32>,
        %swap3A_150 = vector.shape_cast %swap3A_149 : vector<1x16xf32> to vector<16xf32>
        %swap3A_151 = vector.shape_cast %max3A_146 : vector<16xf32> to vector<1x16xf32>
        tpu.vector_store %arg10[%swap3A_147, %swap3A_148], %swap3A_151 {strides = array<i32>} : memref<128x128xf32, #tpu.memory_space<vmem>>, vector<1x16xf32>,
        %get3A_152 = arith.index_cast %scan3A_69 : i32 to index
        %get3A_153 = arith.constant 80 : index
        %get3A_154 = tpu.vector_load %arg9[%get3A_152, %get3A_153] {strides = array<i32>} : memref<128x128xf32, #tpu.memory_space<vmem>>, vector<1x16xf32>,
        %get3A_155 = vector.shape_cast %get3A_154 : vector<1x16xf32> to vector<16xf32>
        %get3A_156 = arith.index_cast %scan3A_69 : i32 to index
        %get3A_157 = arith.constant 80 : index
        %get3A_158 = tpu.vector_load %arg10[%get3A_156, %get3A_157] {strides = array<i32>} : memref<128x128xf32, #tpu.memory_space<vmem>>, vector<1x16xf32>,
        %get3A_159 = vector.shape_cast %get3A_158 : vector<1x16xf32> to vector<16xf32>
        %add3A_160 = arith.addf %get3A_155, %get3A_159 : vector<16xf32>
        %max3A_161 = arith.constant 0.000000e+00 : f32
        %max3A_162 = vector.broadcast %max3A_161 : f32 to vector<16xf32>
        %max3A_163 = arith.maximumf %add3A_160, %max3A_162 : vector<16xf32>
        %swap3A_164 = arith.index_cast %scan3A_69 : i32 to index
        %swap3A_165 = arith.constant 80 : index
        %swap3A_166 = tpu.vector_load %arg10[%swap3A_164, %swap3A_165] {strides = array<i32>} : memref<128x128xf32, #tpu.memory_space<vmem>>, vector<1x16xf32>,
        %swap3A_167 = vector.shape_cast %swap3A_166 : vector<1x16xf32> to vector<16xf32>
        %swap3A_168 = vector.shape_cast %max3A_163 : vector<16xf32> to vector<1x16xf32>
        tpu.vector_store %arg10[%swap3A_164, %swap3A_165], %swap3A_168 {strides = array<i32>} : memref<128x128xf32, #tpu.memory_space<vmem>>, vector<1x16xf32>,
        %get3A_169 = arith.index_cast %scan3A_69 : i32 to index
        %get3A_170 = arith.constant 96 : index
        %get3A_171 = tpu.vector_load %arg9[%get3A_169, %get3A_170] {strides = array<i32>} : memref<128x128xf32, #tpu.memory_space<vmem>>, vector<1x16xf32>,
        %get3A_172 = vector.shape_cast %get3A_171 : vector<1x16xf32> to vector<16xf32>
        %get3A_173 = arith.index_cast %scan3A_69 : i32 to index
        %get3A_174 = arith.constant 96 : index
        %get3A_175 = tpu.vector_load %arg10[%get3A_173, %get3A_174] {strides = array<i32>} : memref<128x128xf32, #tpu.memory_space<vmem>>, vector<1x16xf32>,
        %get3A_176 = vector.shape_cast %get3A_175 : vector<1x16xf32> to vector<16xf32>
        %add3A_177 = arith.addf %get3A_172, %get3A_176 : vector<16xf32>
        %max3A_178 = arith.constant 0.000000e+00 : f32
        %max3A_179 = vector.broadcast %max3A_178 : f32 to vector<16xf32>
        %max3A_180 = arith.maximumf %add3A_177, %max3A_179 : vector<16xf32>
        %swap3A_181 = arith.index_cast %scan3A_69 : i32 to index
        %swap3A_182 = arith.constant 96 : index
        %swap3A_183 = tpu.vector_load %arg10[%swap3A_181, %swap3A_182] {strides = array<i32>} : memref<128x128xf32, #tpu.memory_space<vmem>>, vector<1x16xf32>,
        %swap3A_184 = vector.shape_cast %swap3A_183 : vector<1x16xf32> to vector<16xf32>
        %swap3A_185 = vector.shape_cast %max3A_180 : vector<16xf32> to vector<1x16xf32>
        tpu.vector_store %arg10[%swap3A_181, %swap3A_182], %swap3A_185 {strides = array<i32>} : memref<128x128xf32, #tpu.memory_space<vmem>>, vector<1x16xf32>,
        %get3A_186 = arith.index_cast %scan3A_69 : i32 to index
        %get3A_187 = arith.constant 112 : index
        %get3A_188 = tpu.vector_load %arg9[%get3A_186, %get3A_187] {strides = array<i32>} : memref<128x128xf32, #tpu.memory_space<vmem>>, vector<1x16xf32>,
        %get3A_189 = vector.shape_cast %get3A_188 : vector<1x16xf32> to vector<16xf32>
        %get3A_190 = arith.index_cast %scan3A_69 : i32 to index
        %get3A_191 = arith.constant 112 : index
        %get3A_192 = tpu.vector_load %arg10[%get3A_190, %get3A_191] {strides = array<i32>} : memref<128x128xf32, #tpu.memory_space<vmem>>, vector<1x16xf32>,
        %get3A_193 = vector.shape_cast %get3A_192 : vector<1x16xf32> to vector<16xf32>
        %add3A_194 = arith.addf %get3A_189, %get3A_193 : vector<16xf32>
        %max3A_195 = arith.constant 0.000000e+00 : f32
        %max3A_196 = vector.broadcast %max3A_195 : f32 to vector<16xf32>
        %max3A_197 = arith.maximumf %add3A_194, %max3A_196 : vector<16xf32>
        %swap3A_198 = arith.index_cast %scan3A_69 : i32 to index
        %swap3A_199 = arith.constant 112 : index
        %swap3A_200 = tpu.vector_load %arg10[%swap3A_198, %swap3A_199] {strides = array<i32>} : memref<128x128xf32, #tpu.memory_space<vmem>>, vector<1x16xf32>,
        %swap3A_201 = vector.shape_cast %swap3A_200 : vector<1x16xf32> to vector<16xf32>
        %swap3A_202 = vector.shape_cast %max3A_197 : vector<16xf32> to vector<1x16xf32>
        tpu.vector_store %arg10[%swap3A_198, %swap3A_199], %swap3A_202 {strides = array<i32>} : memref<128x128xf32, #tpu.memory_space<vmem>>, vector<1x16xf32>,
        %scan3A_203 = arith.constant 1 : i32
        %scan3A_204 = arith.addi %scan3A_69, %scan3A_203 : i32
        %get3A_205 = arith.index_cast %scan3A_204 : i32 to index
        %get3A_206 = arith.constant 0 : index
        %get3A_207 = tpu.vector_load %arg9[%get3A_205, %get3A_206] {strides = array<i32>} : memref<128x128xf32, #tpu.memory_space<vmem>>, vector<1x16xf32>,
        %get3A_208 = vector.shape_cast %get3A_207 : vector<1x16xf32> to vector<16xf32>
        %get3A_209 = arith.index_cast %scan3A_204 : i32 to index
        %get3A_210 = arith.constant 0 : index
        %get3A_211 = tpu.vector_load %arg10[%get3A_209, %get3A_210] {strides = array<i32>} : memref<128x128xf32, #tpu.memory_space<vmem>>, vector<1x16xf32>,
        %get3A_212 = vector.shape_cast %get3A_211 : vector<1x16xf32> to vector<16xf32>
        %add3A_213 = arith.addf %get3A_208, %get3A_212 : vector<16xf32>
        %max3A_214 = arith.constant 0.000000e+00 : f32
        %max3A_215 = vector.broadcast %max3A_214 : f32 to vector<16xf32>
        %max3A_216 = arith.maximumf %add3A_213, %max3A_215 : vector<16xf32>
        %swap3A_217 = arith.index_cast %scan3A_204 : i32 to index
        %swap3A_218 = arith.constant 0 : index
        %swap3A_219 = tpu.vector_load %arg10[%swap3A_217, %swap3A_218] {strides = array<i32>} : memref<128x128xf32, #tpu.memory_space<vmem>>, vector<1x16xf32>,
        %swap3A_220 = vector.shape_cast %swap3A_219 : vector<1x16xf32> to vector<16xf32>
        %swap3A_221 = vector.shape_cast %max3A_216 : vector<16xf32> to vector<1x16xf32>
        tpu.vector_store %arg10[%swap3A_217, %swap3A_218], %swap3A_221 {strides = array<i32>} : memref<128x128xf32, #tpu.memory_space<vmem>>, vector<1x16xf32>,
        %get3A_222 = arith.index_cast %scan3A_204 : i32 to index
        %get3A_223 = arith.constant 16 : index
        %get3A_224 = tpu.vector_load %arg9[%get3A_222, %get3A_223] {strides = array<i32>} : memref<128x128xf32, #tpu.memory_space<vmem>>, vector<1x16xf32>,
        %get3A_225 = vector.shape_cast %get3A_224 : vector<1x16xf32> to vector<16xf32>
        %get3A_226 = arith.index_cast %scan3A_204 : i32 to index
        %get3A_227 = arith.constant 16 : index
        %get3A_228 = tpu.vector_load %arg10[%get3A_226, %get3A_227] {strides = array<i32>} : memref<128x128xf32, #tpu.memory_space<vmem>>, vector<1x16xf32>,
        %get3A_229 = vector.shape_cast %get3A_228 : vector<1x16xf32> to vector<16xf32>
        %add3A_230 = arith.addf %get3A_225, %get3A_229 : vector<16xf32>
        %max3A_231 = arith.constant 0.000000e+00 : f32
        %max3A_232 = vector.broadcast %max3A_231 : f32 to vector<16xf32>
        %max3A_233 = arith.maximumf %add3A_230, %max3A_232 : vector<16xf32>
        %swap3A_234 = arith.index_cast %scan3A_204 : i32 to index
        %swap3A_235 = arith.constant 16 : index
        %swap3A_236 = tpu.vector_load %arg10[%swap3A_234, %swap3A_235] {strides = array<i32>} : memref<128x128xf32, #tpu.memory_space<vmem>>, vector<1x16xf32>,
        %swap3A_237 = vector.shape_cast %swap3A_236 : vector<1x16xf32> to vector<16xf32>
        %swap3A_238 = vector.shape_cast %max3A_233 : vector<16xf32> to vector<1x16xf32>
        tpu.vector_store %arg10[%swap3A_234, %swap3A_235], %swap3A_238 {strides = array<i32>} : memref<128x128xf32, #tpu.memory_space<vmem>>, vector<1x16xf32>,
        %get3A_239 = arith.index_cast %scan3A_204 : i32 to index
        %get3A_240 = arith.constant 32 : index
        %get3A_241 = tpu.vector_load %arg9[%get3A_239, %get3A_240] {strides = array<i32>} : memref<128x128xf32, #tpu.memory_space<vmem>>, vector<1x16xf32>,
        %get3A_242 = vector.shape_cast %get3A_241 : vector<1x16xf32> to vector<16xf32>
        %get3A_243 = arith.index_cast %scan3A_204 : i32 to index
        %get3A_244 = arith.constant 32 : index
        %get3A_245 = tpu.vector_load %arg10[%get3A_243, %get3A_244] {strides = array<i32>} : memref<128x128xf32, #tpu.memory_space<vmem>>, vector<1x16xf32>,
        %get3A_246 = vector.shape_cast %get3A_245 : vector<1x16xf32> to vector<16xf32>
        %add3A_247 = arith.addf %get3A_242, %get3A_246 : vector<16xf32>
        %max3A_248 = arith.constant 0.000000e+00 : f32
        %max3A_249 = vector.broadcast %max3A_248 : f32 to vector<16xf32>
        %max3A_250 = arith.maximumf %add3A_247, %max3A_249 : vector<16xf32>
        %swap3A_251 = arith.index_cast %scan3A_204 : i32 to index
        %swap3A_252 = arith.constant 32 : index
        %swap3A_253 = tpu.vector_load %arg10[%swap3A_251, %swap3A_252] {strides = array<i32>} : memref<128x128xf32, #tpu.memory_space<vmem>>, vector<1x16xf32>,
        %swap3A_254 = vector.shape_cast %swap3A_253 : vector<1x16xf32> to vector<16xf32>
        %swap3A_255 = vector.shape_cast %max3A_250 : vector<16xf32> to vector<1x16xf32>
        tpu.vector_store %arg10[%swap3A_251, %swap3A_252], %swap3A_255 {strides = array<i32>} : memref<128x128xf32, #tpu.memory_space<vmem>>, vector<1x16xf32>,
        %get3A_256 = arith.index_cast %scan3A_204 : i32 to index
        %get3A_257 = arith.constant 48 : index
        %get3A_258 = tpu.vector_load %arg9[%get3A_256, %get3A_257] {strides = array<i32>} : memref<128x128xf32, #tpu.memory_space<vmem>>, vector<1x16xf32>,
        %get3A_259 = vector.shape_cast %get3A_258 : vector<1x16xf32> to vector<16xf32>
        %get3A_260 = arith.index_cast %scan3A_204 : i32 to index
        %get3A_261 = arith.constant 48 : index
        %get3A_262 = tpu.vector_load %arg10[%get3A_260, %get3A_261] {strides = array<i32>} : memref<128x128xf32, #tpu.memory_space<vmem>>, vector<1x16xf32>,
        %get3A_263 = vector.shape_cast %get3A_262 : vector<1x16xf32> to vector<16xf32>
        %add3A_264 = arith.addf %get3A_259, %get3A_263 : vector<16xf32>
        %max3A_265 = arith.constant 0.000000e+00 : f32
        %max3A_266 = vector.broadcast %max3A_265 : f32 to vector<16xf32>
        %max3A_267 = arith.maximumf %add3A_264, %max3A_266 : vector<16xf32>
        %swap3A_268 = arith.index_cast %scan3A_204 : i32 to index
        %swap3A_269 = arith.constant 48 : index
        %swap3A_270 = tpu.vector_load %arg10[%swap3A_268, %swap3A_269] {strides = array<i32>} : memref<128x128xf32, #tpu.memory_space<vmem>>, vector<1x16xf32>,
        %swap3A_271 = vector.shape_cast %swap3A_270 : vector<1x16xf32> to vector<16xf32>
        %swap3A_272 = vector.shape_cast %max3A_267 : vector<16xf32> to vector<1x16xf32>
        tpu.vector_store %arg10[%swap3A_268, %swap3A_269], %swap3A_272 {strides = array<i32>} : memref<128x128xf32, #tpu.memory_space<vmem>>, vector<1x16xf32>,
        %get3A_273 = arith.index_cast %scan3A_204 : i32 to index
        %get3A_274 = arith.constant 64 : index
        %get3A_275 = tpu.vector_load %arg9[%get3A_273, %get3A_274] {strides = array<i32>} : memref<128x128xf32, #tpu.memory_space<vmem>>, vector<1x16xf32>,
        %get3A_276 = vector.shape_cast %get3A_275 : vector<1x16xf32> to vector<16xf32>
        %get3A_277 = arith.index_cast %scan3A_204 : i32 to index
        %get3A_278 = arith.constant 64 : index
        %get3A_279 = tpu.vector_load %arg10[%get3A_277, %get3A_278] {strides = array<i32>} : memref<128x128xf32, #tpu.memory_space<vmem>>, vector<1x16xf32>,
        %get3A_280 = vector.shape_cast %get3A_279 : vector<1x16xf32> to vector<16xf32>
        %add3A_281 = arith.addf %get3A_276, %get3A_280 : vector<16xf32>
        %max3A_282 = arith.constant 0.000000e+00 : f32
        %max3A_283 = vector.broadcast %max3A_282 : f32 to vector<16xf32>
        %max3A_284 = arith.maximumf %add3A_281, %max3A_283 : vector<16xf32>
        %swap3A_285 = arith.index_cast %scan3A_204 : i32 to index
        %swap3A_286 = arith.constant 64 : index
        %swap3A_287 = tpu.vector_load %arg10[%swap3A_285, %swap3A_286] {strides = array<i32>} : memref<128x128xf32, #tpu.memory_space<vmem>>, vector<1x16xf32>,
        %swap3A_288 = vector.shape_cast %swap3A_287 : vector<1x16xf32> to vector<16xf32>
        %swap3A_289 = vector.shape_cast %max3A_284 : vector<16xf32> to vector<1x16xf32>
        tpu.vector_store %arg10[%swap3A_285, %swap3A_286], %swap3A_289 {strides = array<i32>} : memref<128x128xf32, #tpu.memory_space<vmem>>, vector<1x16xf32>,
        %get3A_290 = arith.index_cast %scan3A_204 : i32 to index
        %get3A_291 = arith.constant 80 : index
        %get3A_292 = tpu.vector_load %arg9[%get3A_290, %get3A_291] {strides = array<i32>} : memref<128x128xf32, #tpu.memory_space<vmem>>, vector<1x16xf32>,
        %get3A_293 = vector.shape_cast %get3A_292 : vector<1x16xf32> to vector<16xf32>
        %get3A_294 = arith.index_cast %scan3A_204 : i32 to index
        %get3A_295 = arith.constant 80 : index
        %get3A_296 = tpu.vector_load %arg10[%get3A_294, %get3A_295] {strides = array<i32>} : memref<128x128xf32, #tpu.memory_space<vmem>>, vector<1x16xf32>,
        %get3A_297 = vector.shape_cast %get3A_296 : vector<1x16xf32> to vector<16xf32>
        %add3A_298 = arith.addf %get3A_293, %get3A_297 : vector<16xf32>
        %max3A_299 = arith.constant 0.000000e+00 : f32
        %max3A_300 = vector.broadcast %max3A_299 : f32 to vector<16xf32>
        %max3A_301 = arith.maximumf %add3A_298, %max3A_300 : vector<16xf32>
        %swap3A_302 = arith.index_cast %scan3A_204 : i32 to index
        %swap3A_303 = arith.constant 80 : index
        %swap3A_304 = tpu.vector_load %arg10[%swap3A_302, %swap3A_303] {strides = array<i32>} : memref<128x128xf32, #tpu.memory_space<vmem>>, vector<1x16xf32>,
        %swap3A_305 = vector.shape_cast %swap3A_304 : vector<1x16xf32> to vector<16xf32>
        %swap3A_306 = vector.shape_cast %max3A_301 : vector<16xf32> to vector<1x16xf32>
        tpu.vector_store %arg10[%swap3A_302, %swap3A_303], %swap3A_306 {strides = array<i32>} : memref<128x128xf32, #tpu.memory_space<vmem>>, vector<1x16xf32>,
        %get3A_307 = arith.index_cast %scan3A_204 : i32 to index
        %get3A_308 = arith.constant 96 : index
        %get3A_309 = tpu.vector_load %arg9[%get3A_307, %get3A_308] {strides = array<i32>} : memref<128x128xf32, #tpu.memory_space<vmem>>, vector<1x16xf32>,
        %get3A_310 = vector.shape_cast %get3A_309 : vector<1x16xf32> to vector<16xf32>
        %get3A_311 = arith.index_cast %scan3A_204 : i32 to index
        %get3A_312 = arith.constant 96 : index
        %get3A_313 = tpu.vector_load %arg10[%get3A_311, %get3A_312] {strides = array<i32>} : memref<128x128xf32, #tpu.memory_space<vmem>>, vector<1x16xf32>,
        %get3A_314 = vector.shape_cast %get3A_313 : vector<1x16xf32> to vector<16xf32>
        %add3A_315 = arith.addf %get3A_310, %get3A_314 : vector<16xf32>
        %max3A_316 = arith.constant 0.000000e+00 : f32
        %max3A_317 = vector.broadcast %max3A_316 : f32 to vector<16xf32>
        %max3A_318 = arith.maximumf %add3A_315, %max3A_317 : vector<16xf32>
        %swap3A_319 = arith.index_cast %scan3A_204 : i32 to index
        %swap3A_320 = arith.constant 96 : index
        %swap3A_321 = tpu.vector_load %arg10[%swap3A_319, %swap3A_320] {strides = array<i32>} : memref<128x128xf32, #tpu.memory_space<vmem>>, vector<1x16xf32>,
        %swap3A_322 = vector.shape_cast %swap3A_321 : vector<1x16xf32> to vector<16xf32>
        %swap3A_323 = vector.shape_cast %max3A_318 : vector<16xf32> to vector<1x16xf32>
        tpu.vector_store %arg10[%swap3A_319, %swap3A_320], %swap3A_323 {strides = array<i32>} : memref<128x128xf32, #tpu.memory_space<vmem>>, vector<1x16xf32>,
        %get3A_324 = arith.index_cast %scan3A_204 : i32 to index
        %get3A_325 = arith.constant 112 : index
        %get3A_326 = tpu.vector_load %arg9[%get3A_324, %get3A_325] {strides = array<i32>} : memref<128x128xf32, #tpu.memory_space<vmem>>, vector<1x16xf32>,
        %get3A_327 = vector.shape_cast %get3A_326 : vector<1x16xf32> to vector<16xf32>
        %get3A_328 = arith.index_cast %scan3A_204 : i32 to index
        %get3A_329 = arith.constant 112 : index
        %get3A_330 = tpu.vector_load %arg10[%get3A_328, %get3A_329] {strides = array<i32>} : memref<128x128xf32, #tpu.memory_space<vmem>>, vector<1x16xf32>,
        %get3A_331 = vector.shape_cast %get3A_330 : vector<1x16xf32> to vector<16xf32>
        %add3A_332 = arith.addf %get3A_327, %get3A_331 : vector<16xf32>
        %max3A_333 = arith.constant 0.000000e+00 : f32
        %max3A_334 = vector.broadcast %max3A_333 : f32 to vector<16xf32>
        %max3A_335 = arith.maximumf %add3A_332, %max3A_334 : vector<16xf32>
        %swap3A_336 = arith.index_cast %scan3A_204 : i32 to index
        %swap3A_337 = arith.constant 112 : index
        %swap3A_338 = tpu.vector_load %arg10[%swap3A_336, %swap3A_337] {strides = array<i32>} : memref<128x128xf32, #tpu.memory_space<vmem>>, vector<1x16xf32>,
        %swap3A_339 = vector.shape_cast %swap3A_338 : vector<1x16xf32> to vector<16xf32>
        %swap3A_340 = vector.shape_cast %max3A_335 : vector<16xf32> to vector<1x16xf32>
        tpu.vector_store %arg10[%swap3A_336, %swap3A_337], %swap3A_340 {strides = array<i32>} : memref<128x128xf32, #tpu.memory_space<vmem>>, vector<1x16xf32>,
      }
      %scan3A_68 = arith.constant 128 : i32
      "tpu.region"() ({
        %run_scoped3A = tpu.sem_alloc : memref<!tpu.dma_semaphore, #tpu.memory_space<semaphore_mem>>
        %dma_start3A_69 = arith.constant 0 : i32
        %dma_start3A_70 = arith.constant 0 : i32
        %dma_start3A_71 = tpu.memref_slice %arg15[%dma_start3A_69, %dma_start3A_70] : memref<10000x128xf32, #tpu.memory_space<vmem_shared>> -> memref<10000x128xf32, #tpu.memory_space<vmem_shared>>
        tpu.enqueue_indirect_dma source(%arg10 : memref<128x128xf32, #tpu.memory_space<vmem>>) target(%dma_start3A_71 : memref<10000x128xf32, #tpu.memory_space<vmem_shared>>) offsets(%arg8 : memref<128xi32, #tpu.memory_space<vmem>>) semaphore(%run_scoped3A : memref<!tpu.dma_semaphore, #tpu.memory_space<semaphore_mem>>) {add = true}
        %dma_wait3A_72 = arith.constant 0 : i32
        %dma_wait3A_73 = arith.constant 0 : i32
        %dma_wait3A_74 = tpu.memref_slice %arg15[%dma_wait3A_72, %dma_wait3A_73] : memref<10000x128xf32, #tpu.memory_space<vmem_shared>> -> memref<10000x128xf32, #tpu.memory_space<vmem_shared>>
        tpu.wait_indirect_dma semaphore(%run_scoped3A : memref<!tpu.dma_semaphore, #tpu.memory_space<semaphore_mem>>) src(%arg10 : memref<128x128xf32, #tpu.memory_space<vmem>>) dst(%dma_wait3A_74 : memref<10000x128xf32, #tpu.memory_space<vmem_shared>>)
        tpu.yield
      }) : () -> ()
    }
    %scan3A_29 = arith.constant 78 : i32
    %add3A_30 = arith.constant 9984 : i32
    %add3A_31 = arith.addi %mul3A_23, %add3A_30 : i32
    "tpu.region"() ({
      %run_scoped3A = tpu.sem_alloc : memref<!tpu.dma_semaphore, #tpu.memory_space<semaphore_mem>>
      %dma_start3A_53 = tpu.memref_slice %arg3[%add3A_31] : memref<320000xi32, #tpu.memory_space<hbm>> -> memref<16xi32, #tpu.memory_space<hbm>>
      %dma_start3A_54 = tpu.memref_slice %arg3[%add3A_31] : memref<320000xi32, #tpu.memory_space<hbm>> -> memref<16xi32, #tpu.memory_space<hbm>>
      tpu.enqueue_dma source(%dma_start3A_54 : memref<16xi32, #tpu.memory_space<hbm>>) target(%arg11 : memref<16xi32, #tpu.memory_space<vmem>>) target_semaphore(%run_scoped3A : memref<!tpu.dma_semaphore, #tpu.memory_space<semaphore_mem>>)
      %dma_wait3A_55 = tpu.memref_slice %arg3[%add3A_31] : memref<320000xi32, #tpu.memory_space<hbm>> -> memref<16xi32, #tpu.memory_space<hbm>>
      %dma_wait3A_56 = tpu.memref_slice %arg3[%add3A_31] : memref<320000xi32, #tpu.memory_space<hbm>> -> memref<16xi32, #tpu.memory_space<hbm>>
      tpu.wait_dma2 semaphore(%run_scoped3A : memref<!tpu.dma_semaphore, #tpu.memory_space<semaphore_mem>>) src(%dma_wait3A_56 : memref<16xi32, #tpu.memory_space<hbm>>) dst(%arg11 : memref<16xi32, #tpu.memory_space<vmem>>)
      tpu.yield
    }) : () -> ()
    "tpu.region"() ({
      %run_scoped3A = tpu.sem_alloc : memref<!tpu.dma_semaphore, #tpu.memory_space<semaphore_mem>>
      %dma_start3A_53 = tpu.memref_slice %arg4[%add3A_31] : memref<320000xi32, #tpu.memory_space<hbm>> -> memref<16xi32, #tpu.memory_space<hbm>>
      %dma_start3A_54 = tpu.memref_slice %arg4[%add3A_31] : memref<320000xi32, #tpu.memory_space<hbm>> -> memref<16xi32, #tpu.memory_space<hbm>>
      tpu.enqueue_dma source(%dma_start3A_54 : memref<16xi32, #tpu.memory_space<hbm>>) target(%arg12 : memref<16xi32, #tpu.memory_space<vmem>>) target_semaphore(%run_scoped3A : memref<!tpu.dma_semaphore, #tpu.memory_space<semaphore_mem>>)
      %dma_wait3A_55 = tpu.memref_slice %arg4[%add3A_31] : memref<320000xi32, #tpu.memory_space<hbm>> -> memref<16xi32, #tpu.memory_space<hbm>>
      %dma_wait3A_56 = tpu.memref_slice %arg4[%add3A_31] : memref<320000xi32, #tpu.memory_space<hbm>> -> memref<16xi32, #tpu.memory_space<hbm>>
      tpu.wait_dma2 semaphore(%run_scoped3A : memref<!tpu.dma_semaphore, #tpu.memory_space<semaphore_mem>>) src(%dma_wait3A_56 : memref<16xi32, #tpu.memory_space<hbm>>) dst(%arg12 : memref<16xi32, #tpu.memory_space<vmem>>)
      tpu.yield
    }) : () -> ()
    %dma_start3A = arith.constant 0 : i32
    %dma_start3A_32 = arith.constant 0 : i32
    %dma_start3A_33 = tpu.memref_slice %arg2[%dma_start3A, %dma_start3A_32] : memref<10000x128xf32, #tpu.memory_space<hbm>> -> memref<10000x128xf32, #tpu.memory_space<hbm>>
    tpu.enqueue_indirect_dma source(%dma_start3A_33 : memref<10000x128xf32, #tpu.memory_space<hbm>>) target(%arg13 : memref<16x128xf32, #tpu.memory_space<vmem>>) offsets(%arg11 : memref<16xi32, #tpu.memory_space<vmem>>) semaphore(%arg16 : memref<!tpu.dma_semaphore, #tpu.memory_space<semaphore_mem>>)
    "tpu.region"() ({
      %run_scoped3A = tpu.sem_alloc : memref<!tpu.dma_semaphore, #tpu.memory_space<semaphore_mem>>
      %dma_start3A_53 = arith.constant 0 : i32
      %dma_start3A_54 = tpu.memref_slice %arg5[%add3A_31, %dma_start3A_53] : memref<320000x128xf32, #tpu.memory_space<hbm>> -> memref<16x128xf32, #tpu.memory_space<hbm>>
      %dma_start3A_55 = arith.constant 0 : i32
      %dma_start3A_56 = tpu.memref_slice %arg5[%add3A_31, %dma_start3A_55] : memref<320000x128xf32, #tpu.memory_space<hbm>> -> memref<16x128xf32, #tpu.memory_space<hbm>>
      tpu.enqueue_dma source(%dma_start3A_56 : memref<16x128xf32, #tpu.memory_space<hbm>>) target(%arg14 : memref<16x128xf32, #tpu.memory_space<vmem>>) target_semaphore(%run_scoped3A : memref<!tpu.dma_semaphore, #tpu.memory_space<semaphore_mem>>)
      %dma_wait3A_57 = arith.constant 0 : i32
      %dma_wait3A_58 = tpu.memref_slice %arg5[%add3A_31, %dma_wait3A_57] : memref<320000x128xf32, #tpu.memory_space<hbm>> -> memref<16x128xf32, #tpu.memory_space<hbm>>
      %dma_wait3A_59 = arith.constant 0 : i32
      %dma_wait3A_60 = tpu.memref_slice %arg5[%add3A_31, %dma_wait3A_59] : memref<320000x128xf32, #tpu.memory_space<hbm>> -> memref<16x128xf32, #tpu.memory_space<hbm>>
      tpu.wait_dma2 semaphore(%run_scoped3A : memref<!tpu.dma_semaphore, #tpu.memory_space<semaphore_mem>>) src(%dma_wait3A_60 : memref<16x128xf32, #tpu.memory_space<hbm>>) dst(%arg14 : memref<16x128xf32, #tpu.memory_space<vmem>>)
      tpu.yield
    }) : () -> ()
    %dma_wait3A = arith.constant 0 : i32
    %dma_wait3A_34 = arith.constant 0 : i32
    %dma_wait3A_35 = tpu.memref_slice %arg2[%dma_wait3A, %dma_wait3A_34] : memref<10000x128xf32, #tpu.memory_space<hbm>> -> memref<10000x128xf32, #tpu.memory_space<hbm>>
    tpu.wait_indirect_dma semaphore(%arg16 : memref<!tpu.dma_semaphore, #tpu.memory_space<semaphore_mem>>) src(%dma_wait3A_35 : memref<10000x128xf32, #tpu.memory_space<hbm>>) dst(%arg13 : memref<16x128xf32, #tpu.memory_space<vmem>>)
    %scan3A_36 = arith.constant 0 : i32
    %scan3A_37 = arith.constant 0 : i32
    %scan3A_38 = arith.constant 16 : i32
    %scan3A_39 = arith.addi %scan3A_37, %scan3A_38 : i32
    %scan3A_40 = arith.constant 2 : i32
    scf.for %scan3A_53 = %scan3A_37 to %scan3A_39 step %scan3A_40  : i32 {
      %get3A = arith.index_cast %scan3A_53 : i32 to index
      %get3A_54 = arith.constant 0 : index
      %get3A_55 = tpu.vector_load %arg13[%get3A, %get3A_54] {strides = array<i32>} : memref<16x128xf32, #tpu.memory_space<vmem>>, vector<1x16xf32>,
      %get3A_56 = vector.shape_cast %get3A_55 : vector<1x16xf32> to vector<16xf32>
      %get3A_57 = arith.index_cast %scan3A_53 : i32 to index
      %get3A_58 = arith.constant 0 : index
      %get3A_59 = tpu.vector_load %arg14[%get3A_57, %get3A_58] {strides = array<i32>} : memref<16x128xf32, #tpu.memory_space<vmem>>, vector<1x16xf32>,
      %get3A_60 = vector.shape_cast %get3A_59 : vector<1x16xf32> to vector<16xf32>
      %add3A_61 = arith.addf %get3A_56, %get3A_60 : vector<16xf32>
      %max3A = arith.constant 0.000000e+00 : f32
      %max3A_62 = vector.broadcast %max3A : f32 to vector<16xf32>
      %max3A_63 = arith.maximumf %add3A_61, %max3A_62 : vector<16xf32>
      %swap3A = arith.index_cast %scan3A_53 : i32 to index
      %swap3A_64 = arith.constant 0 : index
      %swap3A_65 = tpu.vector_load %arg14[%swap3A, %swap3A_64] {strides = array<i32>} : memref<16x128xf32, #tpu.memory_space<vmem>>, vector<1x16xf32>,
      %swap3A_66 = vector.shape_cast %swap3A_65 : vector<1x16xf32> to vector<16xf32>
      %swap3A_67 = vector.shape_cast %max3A_63 : vector<16xf32> to vector<1x16xf32>
      tpu.vector_store %arg14[%swap3A, %swap3A_64], %swap3A_67 {strides = array<i32>} : memref<16x128xf32, #tpu.memory_space<vmem>>, vector<1x16xf32>,
      %get3A_68 = arith.index_cast %scan3A_53 : i32 to index
      %get3A_69 = arith.constant 16 : index
      %get3A_70 = tpu.vector_load %arg13[%get3A_68, %get3A_69] {strides = array<i32>} : memref<16x128xf32, #tpu.memory_space<vmem>>, vector<1x16xf32>,
      %get3A_71 = vector.shape_cast %get3A_70 : vector<1x16xf32> to vector<16xf32>
      %get3A_72 = arith.index_cast %scan3A_53 : i32 to index
      %get3A_73 = arith.constant 16 : index
      %get3A_74 = tpu.vector_load %arg14[%get3A_72, %get3A_73] {strides = array<i32>} : memref<16x128xf32, #tpu.memory_space<vmem>>, vector<1x16xf32>,
      %get3A_75 = vector.shape_cast %get3A_74 : vector<1x16xf32> to vector<16xf32>
      %add3A_76 = arith.addf %get3A_71, %get3A_75 : vector<16xf32>
      %max3A_77 = arith.constant 0.000000e+00 : f32
      %max3A_78 = vector.broadcast %max3A_77 : f32 to vector<16xf32>
      %max3A_79 = arith.maximumf %add3A_76, %max3A_78 : vector<16xf32>
      %swap3A_80 = arith.index_cast %scan3A_53 : i32 to index
      %swap3A_81 = arith.constant 16 : index
      %swap3A_82 = tpu.vector_load %arg14[%swap3A_80, %swap3A_81] {strides = array<i32>} : memref<16x128xf32, #tpu.memory_space<vmem>>, vector<1x16xf32>,
      %swap3A_83 = vector.shape_cast %swap3A_82 : vector<1x16xf32> to vector<16xf32>
      %swap3A_84 = vector.shape_cast %max3A_79 : vector<16xf32> to vector<1x16xf32>
      tpu.vector_store %arg14[%swap3A_80, %swap3A_81], %swap3A_84 {strides = array<i32>} : memref<16x128xf32, #tpu.memory_space<vmem>>, vector<1x16xf32>,
      %get3A_85 = arith.index_cast %scan3A_53 : i32 to index
      %get3A_86 = arith.constant 32 : index
      %get3A_87 = tpu.vector_load %arg13[%get3A_85, %get3A_86] {strides = array<i32>} : memref<16x128xf32, #tpu.memory_space<vmem>>, vector<1x16xf32>,
      %get3A_88 = vector.shape_cast %get3A_87 : vector<1x16xf32> to vector<16xf32>
      %get3A_89 = arith.index_cast %scan3A_53 : i32 to index
      %get3A_90 = arith.constant 32 : index
      %get3A_91 = tpu.vector_load %arg14[%get3A_89, %get3A_90] {strides = array<i32>} : memref<16x128xf32, #tpu.memory_space<vmem>>, vector<1x16xf32>,
      %get3A_92 = vector.shape_cast %get3A_91 : vector<1x16xf32> to vector<16xf32>
      %add3A_93 = arith.addf %get3A_88, %get3A_92 : vector<16xf32>
      %max3A_94 = arith.constant 0.000000e+00 : f32
      %max3A_95 = vector.broadcast %max3A_94 : f32 to vector<16xf32>
      %max3A_96 = arith.maximumf %add3A_93, %max3A_95 : vector<16xf32>
      %swap3A_97 = arith.index_cast %scan3A_53 : i32 to index
      %swap3A_98 = arith.constant 32 : index
      %swap3A_99 = tpu.vector_load %arg14[%swap3A_97, %swap3A_98] {strides = array<i32>} : memref<16x128xf32, #tpu.memory_space<vmem>>, vector<1x16xf32>,
      %swap3A_100 = vector.shape_cast %swap3A_99 : vector<1x16xf32> to vector<16xf32>
      %swap3A_101 = vector.shape_cast %max3A_96 : vector<16xf32> to vector<1x16xf32>
      tpu.vector_store %arg14[%swap3A_97, %swap3A_98], %swap3A_101 {strides = array<i32>} : memref<16x128xf32, #tpu.memory_space<vmem>>, vector<1x16xf32>,
      %get3A_102 = arith.index_cast %scan3A_53 : i32 to index
      %get3A_103 = arith.constant 48 : index
      %get3A_104 = tpu.vector_load %arg13[%get3A_102, %get3A_103] {strides = array<i32>} : memref<16x128xf32, #tpu.memory_space<vmem>>, vector<1x16xf32>,
      %get3A_105 = vector.shape_cast %get3A_104 : vector<1x16xf32> to vector<16xf32>
      %get3A_106 = arith.index_cast %scan3A_53 : i32 to index
      %get3A_107 = arith.constant 48 : index
      %get3A_108 = tpu.vector_load %arg14[%get3A_106, %get3A_107] {strides = array<i32>} : memref<16x128xf32, #tpu.memory_space<vmem>>, vector<1x16xf32>,
      %get3A_109 = vector.shape_cast %get3A_108 : vector<1x16xf32> to vector<16xf32>
      %add3A_110 = arith.addf %get3A_105, %get3A_109 : vector<16xf32>
      %max3A_111 = arith.constant 0.000000e+00 : f32
      %max3A_112 = vector.broadcast %max3A_111 : f32 to vector<16xf32>
      %max3A_113 = arith.maximumf %add3A_110, %max3A_112 : vector<16xf32>
      %swap3A_114 = arith.index_cast %scan3A_53 : i32 to index
      %swap3A_115 = arith.constant 48 : index
      %swap3A_116 = tpu.vector_load %arg14[%swap3A_114, %swap3A_115] {strides = array<i32>} : memref<16x128xf32, #tpu.memory_space<vmem>>, vector<1x16xf32>,
      %swap3A_117 = vector.shape_cast %swap3A_116 : vector<1x16xf32> to vector<16xf32>
      %swap3A_118 = vector.shape_cast %max3A_113 : vector<16xf32> to vector<1x16xf32>
      tpu.vector_store %arg14[%swap3A_114, %swap3A_115], %swap3A_118 {strides = array<i32>} : memref<16x128xf32, #tpu.memory_space<vmem>>, vector<1x16xf32>,
      %get3A_119 = arith.index_cast %scan3A_53 : i32 to index
      %get3A_120 = arith.constant 64 : index
      %get3A_121 = tpu.vector_load %arg13[%get3A_119, %get3A_120] {strides = array<i32>} : memref<16x128xf32, #tpu.memory_space<vmem>>, vector<1x16xf32>,
      %get3A_122 = vector.shape_cast %get3A_121 : vector<1x16xf32> to vector<16xf32>
      %get3A_123 = arith.index_cast %scan3A_53 : i32 to index
      %get3A_124 = arith.constant 64 : index
      %get3A_125 = tpu.vector_load %arg14[%get3A_123, %get3A_124] {strides = array<i32>} : memref<16x128xf32, #tpu.memory_space<vmem>>, vector<1x16xf32>,
      %get3A_126 = vector.shape_cast %get3A_125 : vector<1x16xf32> to vector<16xf32>
      %add3A_127 = arith.addf %get3A_122, %get3A_126 : vector<16xf32>
      %max3A_128 = arith.constant 0.000000e+00 : f32
      %max3A_129 = vector.broadcast %max3A_128 : f32 to vector<16xf32>
      %max3A_130 = arith.maximumf %add3A_127, %max3A_129 : vector<16xf32>
      %swap3A_131 = arith.index_cast %scan3A_53 : i32 to index
      %swap3A_132 = arith.constant 64 : index
      %swap3A_133 = tpu.vector_load %arg14[%swap3A_131, %swap3A_132] {strides = array<i32>} : memref<16x128xf32, #tpu.memory_space<vmem>>, vector<1x16xf32>,
      %swap3A_134 = vector.shape_cast %swap3A_133 : vector<1x16xf32> to vector<16xf32>
      %swap3A_135 = vector.shape_cast %max3A_130 : vector<16xf32> to vector<1x16xf32>
      tpu.vector_store %arg14[%swap3A_131, %swap3A_132], %swap3A_135 {strides = array<i32>} : memref<16x128xf32, #tpu.memory_space<vmem>>, vector<1x16xf32>,
      %get3A_136 = arith.index_cast %scan3A_53 : i32 to index
      %get3A_137 = arith.constant 80 : index
      %get3A_138 = tpu.vector_load %arg13[%get3A_136, %get3A_137] {strides = array<i32>} : memref<16x128xf32, #tpu.memory_space<vmem>>, vector<1x16xf32>,
      %get3A_139 = vector.shape_cast %get3A_138 : vector<1x16xf32> to vector<16xf32>
      %get3A_140 = arith.index_cast %scan3A_53 : i32 to index
      %get3A_141 = arith.constant 80 : index
      %get3A_142 = tpu.vector_load %arg14[%get3A_140, %get3A_141] {strides = array<i32>} : memref<16x128xf32, #tpu.memory_space<vmem>>, vector<1x16xf32>,
      %get3A_143 = vector.shape_cast %get3A_142 : vector<1x16xf32> to vector<16xf32>
      %add3A_144 = arith.addf %get3A_139, %get3A_143 : vector<16xf32>
      %max3A_145 = arith.constant 0.000000e+00 : f32
      %max3A_146 = vector.broadcast %max3A_145 : f32 to vector<16xf32>
      %max3A_147 = arith.maximumf %add3A_144, %max3A_146 : vector<16xf32>
      %swap3A_148 = arith.index_cast %scan3A_53 : i32 to index
      %swap3A_149 = arith.constant 80 : index
      %swap3A_150 = tpu.vector_load %arg14[%swap3A_148, %swap3A_149] {strides = array<i32>} : memref<16x128xf32, #tpu.memory_space<vmem>>, vector<1x16xf32>,
      %swap3A_151 = vector.shape_cast %swap3A_150 : vector<1x16xf32> to vector<16xf32>
      %swap3A_152 = vector.shape_cast %max3A_147 : vector<16xf32> to vector<1x16xf32>
      tpu.vector_store %arg14[%swap3A_148, %swap3A_149], %swap3A_152 {strides = array<i32>} : memref<16x128xf32, #tpu.memory_space<vmem>>, vector<1x16xf32>,
      %get3A_153 = arith.index_cast %scan3A_53 : i32 to index
      %get3A_154 = arith.constant 96 : index
      %get3A_155 = tpu.vector_load %arg13[%get3A_153, %get3A_154] {strides = array<i32>} : memref<16x128xf32, #tpu.memory_space<vmem>>, vector<1x16xf32>,
      %get3A_156 = vector.shape_cast %get3A_155 : vector<1x16xf32> to vector<16xf32>
      %get3A_157 = arith.index_cast %scan3A_53 : i32 to index
      %get3A_158 = arith.constant 96 : index
      %get3A_159 = tpu.vector_load %arg14[%get3A_157, %get3A_158] {strides = array<i32>} : memref<16x128xf32, #tpu.memory_space<vmem>>, vector<1x16xf32>,
      %get3A_160 = vector.shape_cast %get3A_159 : vector<1x16xf32> to vector<16xf32>
      %add3A_161 = arith.addf %get3A_156, %get3A_160 : vector<16xf32>
      %max3A_162 = arith.constant 0.000000e+00 : f32
      %max3A_163 = vector.broadcast %max3A_162 : f32 to vector<16xf32>
      %max3A_164 = arith.maximumf %add3A_161, %max3A_163 : vector<16xf32>
      %swap3A_165 = arith.index_cast %scan3A_53 : i32 to index
      %swap3A_166 = arith.constant 96 : index
      %swap3A_167 = tpu.vector_load %arg14[%swap3A_165, %swap3A_166] {strides = array<i32>} : memref<16x128xf32, #tpu.memory_space<vmem>>, vector<1x16xf32>,
      %swap3A_168 = vector.shape_cast %swap3A_167 : vector<1x16xf32> to vector<16xf32>
      %swap3A_169 = vector.shape_cast %max3A_164 : vector<16xf32> to vector<1x16xf32>
      tpu.vector_store %arg14[%swap3A_165, %swap3A_166], %swap3A_169 {strides = array<i32>} : memref<16x128xf32, #tpu.memory_space<vmem>>, vector<1x16xf32>,
      %get3A_170 = arith.index_cast %scan3A_53 : i32 to index
      %get3A_171 = arith.constant 112 : index
      %get3A_172 = tpu.vector_load %arg13[%get3A_170, %get3A_171] {strides = array<i32>} : memref<16x128xf32, #tpu.memory_space<vmem>>, vector<1x16xf32>,
      %get3A_173 = vector.shape_cast %get3A_172 : vector<1x16xf32> to vector<16xf32>
      %get3A_174 = arith.index_cast %scan3A_53 : i32 to index
      %get3A_175 = arith.constant 112 : index
      %get3A_176 = tpu.vector_load %arg14[%get3A_174, %get3A_175] {strides = array<i32>} : memref<16x128xf32, #tpu.memory_space<vmem>>, vector<1x16xf32>,
      %get3A_177 = vector.shape_cast %get3A_176 : vector<1x16xf32> to vector<16xf32>
      %add3A_178 = arith.addf %get3A_173, %get3A_177 : vector<16xf32>
      %max3A_179 = arith.constant 0.000000e+00 : f32
      %max3A_180 = vector.broadcast %max3A_179 : f32 to vector<16xf32>
      %max3A_181 = arith.maximumf %add3A_178, %max3A_180 : vector<16xf32>
      %swap3A_182 = arith.index_cast %scan3A_53 : i32 to index
      %swap3A_183 = arith.constant 112 : index
      %swap3A_184 = tpu.vector_load %arg14[%swap3A_182, %swap3A_183] {strides = array<i32>} : memref<16x128xf32, #tpu.memory_space<vmem>>, vector<1x16xf32>,
      %swap3A_185 = vector.shape_cast %swap3A_184 : vector<1x16xf32> to vector<16xf32>
      %swap3A_186 = vector.shape_cast %max3A_181 : vector<16xf32> to vector<1x16xf32>
      tpu.vector_store %arg14[%swap3A_182, %swap3A_183], %swap3A_186 {strides = array<i32>} : memref<16x128xf32, #tpu.memory_space<vmem>>, vector<1x16xf32>,
      %scan3A_187 = arith.constant 1 : i32
      %scan3A_188 = arith.addi %scan3A_53, %scan3A_187 : i32
      %get3A_189 = arith.index_cast %scan3A_188 : i32 to index
      %get3A_190 = arith.constant 0 : index
      %get3A_191 = tpu.vector_load %arg13[%get3A_189, %get3A_190] {strides = array<i32>} : memref<16x128xf32, #tpu.memory_space<vmem>>, vector<1x16xf32>,
      %get3A_192 = vector.shape_cast %get3A_191 : vector<1x16xf32> to vector<16xf32>
      %get3A_193 = arith.index_cast %scan3A_188 : i32 to index
      %get3A_194 = arith.constant 0 : index
      %get3A_195 = tpu.vector_load %arg14[%get3A_193, %get3A_194] {strides = array<i32>} : memref<16x128xf32, #tpu.memory_space<vmem>>, vector<1x16xf32>,
      %get3A_196 = vector.shape_cast %get3A_195 : vector<1x16xf32> to vector<16xf32>
      %add3A_197 = arith.addf %get3A_192, %get3A_196 : vector<16xf32>
      %max3A_198 = arith.constant 0.000000e+00 : f32
      %max3A_199 = vector.broadcast %max3A_198 : f32 to vector<16xf32>
      %max3A_200 = arith.maximumf %add3A_197, %max3A_199 : vector<16xf32>
      %swap3A_201 = arith.index_cast %scan3A_188 : i32 to index
      %swap3A_202 = arith.constant 0 : index
      %swap3A_203 = tpu.vector_load %arg14[%swap3A_201, %swap3A_202] {strides = array<i32>} : memref<16x128xf32, #tpu.memory_space<vmem>>, vector<1x16xf32>,
      %swap3A_204 = vector.shape_cast %swap3A_203 : vector<1x16xf32> to vector<16xf32>
      %swap3A_205 = vector.shape_cast %max3A_200 : vector<16xf32> to vector<1x16xf32>
      tpu.vector_store %arg14[%swap3A_201, %swap3A_202], %swap3A_205 {strides = array<i32>} : memref<16x128xf32, #tpu.memory_space<vmem>>, vector<1x16xf32>,
      %get3A_206 = arith.index_cast %scan3A_188 : i32 to index
      %get3A_207 = arith.constant 16 : index
      %get3A_208 = tpu.vector_load %arg13[%get3A_206, %get3A_207] {strides = array<i32>} : memref<16x128xf32, #tpu.memory_space<vmem>>, vector<1x16xf32>,
      %get3A_209 = vector.shape_cast %get3A_208 : vector<1x16xf32> to vector<16xf32>
      %get3A_210 = arith.index_cast %scan3A_188 : i32 to index
      %get3A_211 = arith.constant 16 : index
      %get3A_212 = tpu.vector_load %arg14[%get3A_210, %get3A_211] {strides = array<i32>} : memref<16x128xf32, #tpu.memory_space<vmem>>, vector<1x16xf32>,
      %get3A_213 = vector.shape_cast %get3A_212 : vector<1x16xf32> to vector<16xf32>
      %add3A_214 = arith.addf %get3A_209, %get3A_213 : vector<16xf32>
      %max3A_215 = arith.constant 0.000000e+00 : f32
      %max3A_216 = vector.broadcast %max3A_215 : f32 to vector<16xf32>
      %max3A_217 = arith.maximumf %add3A_214, %max3A_216 : vector<16xf32>
      %swap3A_218 = arith.index_cast %scan3A_188 : i32 to index
      %swap3A_219 = arith.constant 16 : index
      %swap3A_220 = tpu.vector_load %arg14[%swap3A_218, %swap3A_219] {strides = array<i32>} : memref<16x128xf32, #tpu.memory_space<vmem>>, vector<1x16xf32>,
      %swap3A_221 = vector.shape_cast %swap3A_220 : vector<1x16xf32> to vector<16xf32>
      %swap3A_222 = vector.shape_cast %max3A_217 : vector<16xf32> to vector<1x16xf32>
      tpu.vector_store %arg14[%swap3A_218, %swap3A_219], %swap3A_222 {strides = array<i32>} : memref<16x128xf32, #tpu.memory_space<vmem>>, vector<1x16xf32>,
      %get3A_223 = arith.index_cast %scan3A_188 : i32 to index
      %get3A_224 = arith.constant 32 : index
      %get3A_225 = tpu.vector_load %arg13[%get3A_223, %get3A_224] {strides = array<i32>} : memref<16x128xf32, #tpu.memory_space<vmem>>, vector<1x16xf32>,
      %get3A_226 = vector.shape_cast %get3A_225 : vector<1x16xf32> to vector<16xf32>
      %get3A_227 = arith.index_cast %scan3A_188 : i32 to index
      %get3A_228 = arith.constant 32 : index
      %get3A_229 = tpu.vector_load %arg14[%get3A_227, %get3A_228] {strides = array<i32>} : memref<16x128xf32, #tpu.memory_space<vmem>>, vector<1x16xf32>,
      %get3A_230 = vector.shape_cast %get3A_229 : vector<1x16xf32> to vector<16xf32>
      %add3A_231 = arith.addf %get3A_226, %get3A_230 : vector<16xf32>
      %max3A_232 = arith.constant 0.000000e+00 : f32
      %max3A_233 = vector.broadcast %max3A_232 : f32 to vector<16xf32>
      %max3A_234 = arith.maximumf %add3A_231, %max3A_233 : vector<16xf32>
      %swap3A_235 = arith.index_cast %scan3A_188 : i32 to index
      %swap3A_236 = arith.constant 32 : index
      %swap3A_237 = tpu.vector_load %arg14[%swap3A_235, %swap3A_236] {strides = array<i32>} : memref<16x128xf32, #tpu.memory_space<vmem>>, vector<1x16xf32>,
      %swap3A_238 = vector.shape_cast %swap3A_237 : vector<1x16xf32> to vector<16xf32>
      %swap3A_239 = vector.shape_cast %max3A_234 : vector<16xf32> to vector<1x16xf32>
      tpu.vector_store %arg14[%swap3A_235, %swap3A_236], %swap3A_239 {strides = array<i32>} : memref<16x128xf32, #tpu.memory_space<vmem>>, vector<1x16xf32>,
      %get3A_240 = arith.index_cast %scan3A_188 : i32 to index
      %get3A_241 = arith.constant 48 : index
      %get3A_242 = tpu.vector_load %arg13[%get3A_240, %get3A_241] {strides = array<i32>} : memref<16x128xf32, #tpu.memory_space<vmem>>, vector<1x16xf32>,
      %get3A_243 = vector.shape_cast %get3A_242 : vector<1x16xf32> to vector<16xf32>
      %get3A_244 = arith.index_cast %scan3A_188 : i32 to index
      %get3A_245 = arith.constant 48 : index
      %get3A_246 = tpu.vector_load %arg14[%get3A_244, %get3A_245] {strides = array<i32>} : memref<16x128xf32, #tpu.memory_space<vmem>>, vector<1x16xf32>,
      %get3A_247 = vector.shape_cast %get3A_246 : vector<1x16xf32> to vector<16xf32>
      %add3A_248 = arith.addf %get3A_243, %get3A_247 : vector<16xf32>
      %max3A_249 = arith.constant 0.000000e+00 : f32
      %max3A_250 = vector.broadcast %max3A_249 : f32 to vector<16xf32>
      %max3A_251 = arith.maximumf %add3A_248, %max3A_250 : vector<16xf32>
      %swap3A_252 = arith.index_cast %scan3A_188 : i32 to index
      %swap3A_253 = arith.constant 48 : index
      %swap3A_254 = tpu.vector_load %arg14[%swap3A_252, %swap3A_253] {strides = array<i32>} : memref<16x128xf32, #tpu.memory_space<vmem>>, vector<1x16xf32>,
      %swap3A_255 = vector.shape_cast %swap3A_254 : vector<1x16xf32> to vector<16xf32>
      %swap3A_256 = vector.shape_cast %max3A_251 : vector<16xf32> to vector<1x16xf32>
      tpu.vector_store %arg14[%swap3A_252, %swap3A_253], %swap3A_256 {strides = array<i32>} : memref<16x128xf32, #tpu.memory_space<vmem>>, vector<1x16xf32>,
      %get3A_257 = arith.index_cast %scan3A_188 : i32 to index
      %get3A_258 = arith.constant 64 : index
      %get3A_259 = tpu.vector_load %arg13[%get3A_257, %get3A_258] {strides = array<i32>} : memref<16x128xf32, #tpu.memory_space<vmem>>, vector<1x16xf32>,
      %get3A_260 = vector.shape_cast %get3A_259 : vector<1x16xf32> to vector<16xf32>
      %get3A_261 = arith.index_cast %scan3A_188 : i32 to index
      %get3A_262 = arith.constant 64 : index
      %get3A_263 = tpu.vector_load %arg14[%get3A_261, %get3A_262] {strides = array<i32>} : memref<16x128xf32, #tpu.memory_space<vmem>>, vector<1x16xf32>,
      %get3A_264 = vector.shape_cast %get3A_263 : vector<1x16xf32> to vector<16xf32>
      %add3A_265 = arith.addf %get3A_260, %get3A_264 : vector<16xf32>
      %max3A_266 = arith.constant 0.000000e+00 : f32
      %max3A_267 = vector.broadcast %max3A_266 : f32 to vector<16xf32>
      %max3A_268 = arith.maximumf %add3A_265, %max3A_267 : vector<16xf32>
      %swap3A_269 = arith.index_cast %scan3A_188 : i32 to index
      %swap3A_270 = arith.constant 64 : index
      %swap3A_271 = tpu.vector_load %arg14[%swap3A_269, %swap3A_270] {strides = array<i32>} : memref<16x128xf32, #tpu.memory_space<vmem>>, vector<1x16xf32>,
      %swap3A_272 = vector.shape_cast %swap3A_271 : vector<1x16xf32> to vector<16xf32>
      %swap3A_273 = vector.shape_cast %max3A_268 : vector<16xf32> to vector<1x16xf32>
      tpu.vector_store %arg14[%swap3A_269, %swap3A_270], %swap3A_273 {strides = array<i32>} : memref<16x128xf32, #tpu.memory_space<vmem>>, vector<1x16xf32>,
      %get3A_274 = arith.index_cast %scan3A_188 : i32 to index
      %get3A_275 = arith.constant 80 : index
      %get3A_276 = tpu.vector_load %arg13[%get3A_274, %get3A_275] {strides = array<i32>} : memref<16x128xf32, #tpu.memory_space<vmem>>, vector<1x16xf32>,
      %get3A_277 = vector.shape_cast %get3A_276 : vector<1x16xf32> to vector<16xf32>
      %get3A_278 = arith.index_cast %scan3A_188 : i32 to index
      %get3A_279 = arith.constant 80 : index
      %get3A_280 = tpu.vector_load %arg14[%get3A_278, %get3A_279] {strides = array<i32>} : memref<16x128xf32, #tpu.memory_space<vmem>>, vector<1x16xf32>,
      %get3A_281 = vector.shape_cast %get3A_280 : vector<1x16xf32> to vector<16xf32>
      %add3A_282 = arith.addf %get3A_277, %get3A_281 : vector<16xf32>
      %max3A_283 = arith.constant 0.000000e+00 : f32
      %max3A_284 = vector.broadcast %max3A_283 : f32 to vector<16xf32>
      %max3A_285 = arith.maximumf %add3A_282, %max3A_284 : vector<16xf32>
      %swap3A_286 = arith.index_cast %scan3A_188 : i32 to index
      %swap3A_287 = arith.constant 80 : index
      %swap3A_288 = tpu.vector_load %arg14[%swap3A_286, %swap3A_287] {strides = array<i32>} : memref<16x128xf32, #tpu.memory_space<vmem>>, vector<1x16xf32>,
      %swap3A_289 = vector.shape_cast %swap3A_288 : vector<1x16xf32> to vector<16xf32>
      %swap3A_290 = vector.shape_cast %max3A_285 : vector<16xf32> to vector<1x16xf32>
      tpu.vector_store %arg14[%swap3A_286, %swap3A_287], %swap3A_290 {strides = array<i32>} : memref<16x128xf32, #tpu.memory_space<vmem>>, vector<1x16xf32>,
      %get3A_291 = arith.index_cast %scan3A_188 : i32 to index
      %get3A_292 = arith.constant 96 : index
      %get3A_293 = tpu.vector_load %arg13[%get3A_291, %get3A_292] {strides = array<i32>} : memref<16x128xf32, #tpu.memory_space<vmem>>, vector<1x16xf32>,
      %get3A_294 = vector.shape_cast %get3A_293 : vector<1x16xf32> to vector<16xf32>
      %get3A_295 = arith.index_cast %scan3A_188 : i32 to index
      %get3A_296 = arith.constant 96 : index
      %get3A_297 = tpu.vector_load %arg14[%get3A_295, %get3A_296] {strides = array<i32>} : memref<16x128xf32, #tpu.memory_space<vmem>>, vector<1x16xf32>,
      %get3A_298 = vector.shape_cast %get3A_297 : vector<1x16xf32> to vector<16xf32>
      %add3A_299 = arith.addf %get3A_294, %get3A_298 : vector<16xf32>
      %max3A_300 = arith.constant 0.000000e+00 : f32
      %max3A_301 = vector.broadcast %max3A_300 : f32 to vector<16xf32>
      %max3A_302 = arith.maximumf %add3A_299, %max3A_301 : vector<16xf32>
      %swap3A_303 = arith.index_cast %scan3A_188 : i32 to index
      %swap3A_304 = arith.constant 96 : index
      %swap3A_305 = tpu.vector_load %arg14[%swap3A_303, %swap3A_304] {strides = array<i32>} : memref<16x128xf32, #tpu.memory_space<vmem>>, vector<1x16xf32>,
      %swap3A_306 = vector.shape_cast %swap3A_305 : vector<1x16xf32> to vector<16xf32>
      %swap3A_307 = vector.shape_cast %max3A_302 : vector<16xf32> to vector<1x16xf32>
      tpu.vector_store %arg14[%swap3A_303, %swap3A_304], %swap3A_307 {strides = array<i32>} : memref<16x128xf32, #tpu.memory_space<vmem>>, vector<1x16xf32>,
      %get3A_308 = arith.index_cast %scan3A_188 : i32 to index
      %get3A_309 = arith.constant 112 : index
      %get3A_310 = tpu.vector_load %arg13[%get3A_308, %get3A_309] {strides = array<i32>} : memref<16x128xf32, #tpu.memory_space<vmem>>, vector<1x16xf32>,
      %get3A_311 = vector.shape_cast %get3A_310 : vector<1x16xf32> to vector<16xf32>
      %get3A_312 = arith.index_cast %scan3A_188 : i32 to index
      %get3A_313 = arith.constant 112 : index
      %get3A_314 = tpu.vector_load %arg14[%get3A_312, %get3A_313] {strides = array<i32>} : memref<16x128xf32, #tpu.memory_space<vmem>>, vector<1x16xf32>,
      %get3A_315 = vector.shape_cast %get3A_314 : vector<1x16xf32> to vector<16xf32>
      %add3A_316 = arith.addf %get3A_311, %get3A_315 : vector<16xf32>
      %max3A_317 = arith.constant 0.000000e+00 : f32
      %max3A_318 = vector.broadcast %max3A_317 : f32 to vector<16xf32>
      %max3A_319 = arith.maximumf %add3A_316, %max3A_318 : vector<16xf32>
      %swap3A_320 = arith.index_cast %scan3A_188 : i32 to index
      %swap3A_321 = arith.constant 112 : index
      %swap3A_322 = tpu.vector_load %arg14[%swap3A_320, %swap3A_321] {strides = array<i32>} : memref<16x128xf32, #tpu.memory_space<vmem>>, vector<1x16xf32>,
      %swap3A_323 = vector.shape_cast %swap3A_322 : vector<1x16xf32> to vector<16xf32>
      %swap3A_324 = vector.shape_cast %max3A_319 : vector<16xf32> to vector<1x16xf32>
      tpu.vector_store %arg14[%swap3A_320, %swap3A_321], %swap3A_324 {strides = array<i32>} : memref<16x128xf32, #tpu.memory_space<vmem>>, vector<1x16xf32>,
    }
    %scan3A_41 = arith.constant 16 : i32
    "tpu.region"() ({
      %run_scoped3A = tpu.sem_alloc : memref<!tpu.dma_semaphore, #tpu.memory_space<semaphore_mem>>
      %dma_start3A_53 = arith.constant 0 : i32
      %dma_start3A_54 = arith.constant 0 : i32
      %dma_start3A_55 = tpu.memref_slice %arg15[%dma_start3A_53, %dma_start3A_54] : memref<10000x128xf32, #tpu.memory_space<vmem_shared>> -> memref<10000x128xf32, #tpu.memory_space<vmem_shared>>
      tpu.enqueue_indirect_dma source(%arg14 : memref<16x128xf32, #tpu.memory_space<vmem>>) target(%dma_start3A_55 : memref<10000x128xf32, #tpu.memory_space<vmem_shared>>) offsets(%arg12 : memref<16xi32, #tpu.memory_space<vmem>>) semaphore(%run_scoped3A : memref<!tpu.dma_semaphore, #tpu.memory_space<semaphore_mem>>) {add = true}
      %dma_wait3A_56 = arith.constant 0 : i32
      %dma_wait3A_57 = arith.constant 0 : i32
      %dma_wait3A_58 = tpu.memref_slice %arg15[%dma_wait3A_56, %dma_wait3A_57] : memref<10000x128xf32, #tpu.memory_space<vmem_shared>> -> memref<10000x128xf32, #tpu.memory_space<vmem_shared>>
      tpu.wait_indirect_dma semaphore(%run_scoped3A : memref<!tpu.dma_semaphore, #tpu.memory_space<semaphore_mem>>) src(%arg14 : memref<16x128xf32, #tpu.memory_space<vmem>>) dst(%dma_wait3A_58 : memref<10000x128xf32, #tpu.memory_space<vmem_shared>>)
      tpu.yield
    }) : () -> ()
    %barrier3A_42 = arith.constant 0 : index
    tpu.barrier barrier_id(%barrier3A_42)
    %mul3A_43 = arith.constant 10000 : i32
    %mul3A_44 = arith.muli %arg0, %mul3A_43 : i32
    %mul3A_45 = arith.constant 624 : i32
    %mul3A_46 = arith.muli %arg1, %mul3A_45 : i32
    %add3A_47 = arith.addi %mul3A_44, %mul3A_46 : i32
    "tpu.region"() ({
      %run_scoped3A = tpu.sem_alloc : memref<!tpu.dma_semaphore, #tpu.memory_space<semaphore_mem>>
      %dma_start3A_53 = arith.constant 0 : i32
      %dma_start3A_54 = tpu.memref_slice %arg6[%add3A_47, %dma_start3A_53] : memref<20000x128xf32, #tpu.memory_space<hbm>> -> memref<624x128xf32, #tpu.memory_space<hbm>>
      %dma_start3A_55 = arith.constant 0 : i32
      %dma_start3A_56 = tpu.memref_slice %arg15[%mul3A_7, %dma_start3A_55] : memref<10000x128xf32, #tpu.memory_space<vmem_shared>> -> memref<624x128xf32, #tpu.memory_space<vmem_shared>>
      tpu.enqueue_dma source(%dma_start3A_56 : memref<624x128xf32, #tpu.memory_space<vmem_shared>>) target(%dma_start3A_54 : memref<624x128xf32, #tpu.memory_space<hbm>>) target_semaphore(%run_scoped3A : memref<!tpu.dma_semaphore, #tpu.memory_space<semaphore_mem>>)
      %dma_wait3A_57 = arith.constant 0 : i32
      %dma_wait3A_58 = tpu.memref_slice %arg6[%add3A_47, %dma_wait3A_57] : memref<20000x128xf32, #tpu.memory_space<hbm>> -> memref<624x128xf32, #tpu.memory_space<hbm>>
      %dma_wait3A_59 = arith.constant 0 : i32
      %dma_wait3A_60 = tpu.memref_slice %arg15[%mul3A_7, %dma_wait3A_59] : memref<10000x128xf32, #tpu.memory_space<vmem_shared>> -> memref<624x128xf32, #tpu.memory_space<vmem_shared>>
      tpu.wait_dma2 semaphore(%run_scoped3A : memref<!tpu.dma_semaphore, #tpu.memory_space<semaphore_mem>>) src(%dma_wait3A_60 : memref<624x128xf32, #tpu.memory_space<vmem_shared>>) dst(%dma_wait3A_58 : memref<624x128xf32, #tpu.memory_space<hbm>>)
      tpu.yield
    }) : () -> ()
    %eq3A_48 = arith.constant 15 : i32
    %eq3A_49 = arith.cmpi eq, %arg1, %eq3A_48 : i32
    %convert_element_type3A_50 = arith.extui %eq3A_49 : i1 to i32
    %cond3A_51 = arith.constant 0 : i32
    %cond3A_52 = arith.cmpi ne, %convert_element_type3A_50, %cond3A_51 : i32
    scf.if %cond3A_52 {
      %mul3A_53 = arith.constant 10000 : i32
      %mul3A_54 = arith.muli %arg0, %mul3A_53 : i32
      %add3A_55 = arith.constant 9984 : i32
      %add3A_56 = arith.addi %mul3A_54, %add3A_55 : i32
      "tpu.region"() ({
        %run_scoped3A = tpu.sem_alloc : memref<!tpu.dma_semaphore, #tpu.memory_space<semaphore_mem>>
        %dma_start3A_57 = arith.constant 0 : i32
        %dma_start3A_58 = tpu.memref_slice %arg6[%add3A_56, %dma_start3A_57] : memref<20000x128xf32, #tpu.memory_space<hbm>> -> memref<16x128xf32, #tpu.memory_space<hbm>>
        %dma_start3A_59 = arith.constant 9984 : i32
        %dma_start3A_60 = arith.constant 0 : i32
        %dma_start3A_61 = tpu.memref_slice %arg15[%dma_start3A_59, %dma_start3A_60] : memref<10000x128xf32, #tpu.memory_space<vmem_shared>> -> memref<16x128xf32, #tpu.memory_space<vmem_shared>>
        tpu.enqueue_dma source(%dma_start3A_61 : memref<16x128xf32, #tpu.memory_space<vmem_shared>>) target(%dma_start3A_58 : memref<16x128xf32, #tpu.memory_space<hbm>>) target_semaphore(%run_scoped3A : memref<!tpu.dma_semaphore, #tpu.memory_space<semaphore_mem>>)
        %dma_wait3A_62 = arith.constant 0 : i32
        %dma_wait3A_63 = tpu.memref_slice %arg6[%add3A_56, %dma_wait3A_62] : memref<20000x128xf32, #tpu.memory_space<hbm>> -> memref<16x128xf32, #tpu.memory_space<hbm>>
        %dma_wait3A_64 = arith.constant 9984 : i32
        %dma_wait3A_65 = arith.constant 0 : i32
        %dma_wait3A_66 = tpu.memref_slice %arg15[%dma_wait3A_64, %dma_wait3A_65] : memref<10000x128xf32, #tpu.memory_space<vmem_shared>> -> memref<16x128xf32, #tpu.memory_space<vmem_shared>>
        tpu.wait_dma2 semaphore(%run_scoped3A : memref<!tpu.dma_semaphore, #tpu.memory_space<semaphore_mem>>) src(%dma_wait3A_66 : memref<16x128xf32, #tpu.memory_space<vmem_shared>>) dst(%dma_wait3A_63 : memref<16x128xf32, #tpu.memory_space<hbm>>)
        tpu.yield
      }) : () -> ()
    } else {
    }
    return
  }
}

</mosaic_0001>

<sc_bundles>
// kernel: _sc_partials.3.cloned.1.call-start
scs
__scs_entry_jumppad:
0x0: {  	(pc) =	sbr.rel $0x88, $3  }
0x1: {  	(tag) =	ssettag $0x0;
	lr =	simm.s32 $0x1  }
0x2: {  	[smem:$0x3F9D] =	sst lr;
	_ =	strace $0xD0000000  }
0x3: {  	_ = 	snop  }
0x4: {  	_ = 	snop  }
0x5: {  	_ = 	snop  }
0x6: {  	_ = 	snop  }
0x7: {  	_ = 	snop  }
__scs_overlays_trampoline_lowered:
0x8: {  	[smem:$0x3FAC] =	sst s0  }
0x9: {  	[smem:$0x3FAD] =	sst s1  }
0xa: {  	[smem:$0x3FAE] =	sst s2  }
0xb: {  	[smem:$0x3FAF] =	sst s3  }
0xc: {  	[smem:$0x3FB0] =	sst s4  }
0xd: {  	[smem:$0x3FB1] =	sst s5  }
0xe: {  	[smem:$0x3FB2] =	sst s6  }
0xf: {  	[smem:$0x3FB3] =	sst s7  }
0x10: {  	[smem:$0x3FB4] =	sst s8  }
0x11: {  	[smem:$0x3FB5] =	sst s9;
	s0 =	simm.s32 @!p0 $0x0  }
0x12: {  	s1 =	sld [smem:$0x3F9B];
	s0 =	simm.s32 @p0 $0x1  }
0x13: {  	[smem:$0x3FB6] =	sst s0;
	s0 =	simm.s32 @!p1 $0x0  }
0x14: {  	s2 =	sld [smem:$0x3F9A];
	s0 =	simm.s32 @p1 $0x1  }
0x15: {  	[smem:$0x3FB7] =	sst s0;
	s0 =	simm.s32 @!p2 $0x0  }
0x16: {  	s3 =	sld [smem:$0x3FDB];
	s0 =	simm.s32 @p2 $0x1  }
0x17: {  	s4 =	simm.s32 $0x1BF5;
	[smem:$0x3FB9] =	sst s0  }
0x18: {  	s0 =	sld [smem:$0x3F9C];
	_ =	swait.ge [sflag:s4], $0x0  }
0x19: {  	s7 =	sld [smem:$0x3F9D]  }
0x1a: {  	s8 =	sadd.s32 $0xFFFFE003, lr  }
0x1b: {  	s9 =	sadd.s32 $0xFFFFFEF7, lr;
	s5 =	simm.s32 $0xFFFFFFFF;
	p2 =	slt.u32 s8, $0xFFFFF086  }
0x1c: {  	p1 =	slt.u32 s9, $0xF7A;
	s5 =	simm.s32 @!p2 $0x0  }
0x1d: {  	s5 =	simm.s32 @p1 $0x1;
	p0 =	seq.s32 s7, s2  }
0x1e: {  	s7 =	smul.u32 @!p0 $0xF7A, s2;
	p2 =	seq.s32 @!p0 s5, $0x0  }
0x1f: {  	s9 =	smul.u32 $0xF7A, s1;
	s8 =	simm.s32 @!p0 $0x1BF5;
	p2 =	por !p2, p0  }
0x20: {  	[sflag:s8] =	ssyncset.s32 @!p0 $0xFFFFF086;
	s6 =	sadd.s32 @!p0 s3, s7;
	s7 =	simm.s32 @!p0 $0x108  }
0x21: {  	s3 =	sadd.s32 s3, s9;
	s6 =	sadd.s32 @!p0 $0x88, s6;
	s7 =	simm.s32 @p2 $0x1082  }
0x22: {  	[simem:s7], [sflag:s8] =	dma.local @!p0 [hbm:s6], $0xF7A  }
0x23: {  	s9 =	sor.u32 $0xD0000000, s2;
	s6 =	simm.s32 $0x108;
	_ =	swait.ge @!p0 [sflag:s8], $0x0  }
0x24: {  	s3 =	sadd.s32 $0x88, s3;
	s6 =	simm.s32 @!p1 $0x1082;
	[sflag:s4] =	ssyncset.s32 $0xFFFFF086  }
0x25: {  	[simem:s6], [sflag:s4] =	dma.local [hbm:s3], $0xF7A  }
0x26: {  	[smem:$0x3F9D] =	sst s1;
	(tag) =	ssettag s2;
	_ =	strace s9  }
0x27: {  	s1 =	sld [smem:$0x3FAD]  }
0x28: {  	s2 =	sld [smem:$0x3FAE]  }
0x29: {  	s4 =	sld [smem:$0x3FB0]  }
0x2a: {  	p0 =	seq.s32 s5, $0x0;
	s5 =	sld [smem:$0x3FB1]  }
0x2b: {  	s6 =	sld [smem:$0x3FB2]  }
0x2c: {  	s7 =	sld [smem:$0x3FB3]  }
0x2d: {  	s3 =	simm.s32 $0x108;
	s8 =	sld [smem:$0x3FB4]  }
0x2e: {  	s3 =	simm.s32 @!p0 $0x1082;
	s9 =	sld [smem:$0x3FB5]  }
0x2f: {  	lr =	sadd.s32 s0, s3;
	s0 =	sld [smem:$0x3FAC]  }
0x30: {  	s3 =	sld [smem:$0x3FAF]  }
0x31: {  	[smem:$0x3FB8] =	sst s10  }
0x32: {  	s10 =	sld [smem:$0x3FB6];
	_ =	sdelay $0x3  }
0x33: {  	p0 =	seq.s32 s10, $0x1;
	s10 =	sld [smem:$0x3FB8];
	_ =	sdelay $0x3  }
0x34: {  	[smem:$0x3FB8] =	sst s10  }
0x35: {  	s10 =	sld [smem:$0x3FB7];
	_ =	sdelay $0x3  }
0x36: {  	p1 =	seq.s32 s10, $0x1;
	s10 =	sld [smem:$0x3FB8];
	_ =	sdelay $0x3  }
0x37: {  	[smem:$0x3FB8] =	sst s10  }
0x38: {  	s10 =	sld [smem:$0x3FB9]  }
0x39: {  	_ = 	snop;
	(pc) =	sbr.ind lr, $3  }
0x3a: {  	_ = 	snop  }
0x3b: {  	_ = 	snop  }
0x3c: {  	p2 =	seq.s32 s10, $0x1;
	s10 =	sld [smem:$0x3FB8]  }
0x3d: {  	_ =	shalt  }
0x3e: {  	_ =	shalt  }
0x3f: {  	_ =	shalt  }
0x40: {  	_ =	shalt  }
0x41: {  	_ =	shalt  }
0x42: {  	_ =	shalt  }
0x43: {  	_ =	shalt  }
0x44: {  	_ =	shalt  }
0x45: {  	_ =	shalt  }
0x46: {  	_ =	shalt  }
0x47: {  	_ =	shalt  }
0x48: {  	_ =	shalt  }
0x49: {  	_ =	shalt  }
0x4a: {  	_ =	shalt  }
0x4b: {  	_ =	shalt  }
0x4c: {  	_ =	shalt  }
0x4d: {  	_ =	shalt  }
0x4e: {  	_ =	shalt  }
0x4f: {  	_ =	shalt  }
0x50: {  	_ =	shalt  }
0x51: {  	_ =	shalt  }
0x52: {  	_ =	shalt  }
0x53: {  	_ =	shalt  }
0x54: {  	_ =	shalt  }
0x55: {  	_ =	shalt  }
0x56: {  	_ =	shalt  }
0x57: {  	_ =	shalt  }
0x58: {  	_ =	shalt  }
0x59: {  	_ =	shalt  }
0x5a: {  	_ =	shalt  }
0x5b: {  	_ =	shalt  }
0x5c: {  	_ =	shalt  }
0x5d: {  	_ =	shalt  }
0x5e: {  	_ =	shalt  }
0x5f: {  	_ =	shalt  }
0x60: {  	_ =	shalt  }
0x61: {  	_ =	shalt  }
0x62: {  	_ =	shalt  }
0x63: {  	_ =	shalt  }
0x64: {  	_ =	shalt  }
0x65: {  	_ =	shalt  }
0x66: {  	_ =	shalt  }
0x67: {  	_ =	shalt  }
0x68: {  	_ =	shalt  }
0x69: {  	_ =	shalt  }
0x6a: {  	_ =	shalt  }
0x6b: {  	_ =	shalt  }
0x6c: {  	_ =	shalt  }
0x6d: {  	_ =	shalt  }
0x6e: {  	_ =	shalt  }
0x6f: {  	_ =	shalt  }
0x70: {  	_ =	shalt  }
0x71: {  	_ =	shalt  }
0x72: {  	_ =	shalt  }
0x73: {  	_ =	shalt  }
0x74: {  	_ =	shalt  }
0x75: {  	_ =	shalt  }
0x76: {  	_ =	shalt  }
0x77: {  	_ =	shalt  }
0x78: {  	_ =	shalt  }
0x79: {  	_ =	shalt  }
0x7a: {  	_ =	shalt  }
0x7b: {  	_ =	shalt  }
0x7c: {  	_ =	shalt  }
0x7d: {  	_ =	shalt  }
0x7e: {  	_ =	shalt  }
0x7f: {  	_ =	shalt  }
0x80: {  	_ =	shalt  }
0x81: {  	_ =	shalt  }
0x82: {  	_ =	shalt  }
0x83: {  	_ =	shalt  }
0x84: {  	_ =	shalt  }
0x85: {  	_ =	shalt  }
0x86: {  	_ =	shalt  }
0x87: {  	_ =	shalt  }
.Lfunc_end0:
.L_simem_size_0:
called_computation_lowered:
.L_overlay_start_0:
0x88: {  	s2 =	sld [smem:$0x3FD9]  }
0x89: {  	s3 =	sld [smem:$0x3FFE];
	_ =	sdelay $0x1  }
0x8a: {  	s1 =	srdreg.scid  }
0x8b: {  	s0 =	sand.u32 $0x1, s1  }
0x8c: {  	s18 =	sshll.u32 s0, $0xA;
	s2 =	sadd.s32 s3, s2  }
0x8d: {  	s2 =	sadd.s32 s2, s18  }
0x8e: {  	[smem:$0x3FC4] =	sst s2  }
0x8f: {  	_ = 	snop  }
0x90: {  	s2 =	sld [smem:$0x3FC9]  }
0x91: {  	s19 =	sld [smem:$0x3FC8]  }
0x92: {  	s4 =	sld [smem:$0x3FC7]  }
0x93: {  	s5 =	sld [smem:$0x3FC6]  }
0x94: {  	s6 =	sld [smem:$0x3FD0];
	(tm) =	ssettm $0x1  }
0x95: {  	s7 =	sld [smem:$0x3FFB];
	_ =	sdelay $0x3  }
0x96: {  	_ =	strace s7  }
0x97: {  	s7 =	sld [smem:$0x3FFC];
	_ =	sdelay $0x3  }
0x98: {  	_ =	strace s7  }
0x99: {  	s7 =	sld [smem:$0x3FFD];
	_ =	sdelay $0x3  }
0x9a: {  	_ =	strace s7  }
0x9b: {  	_ =	strace $0x8FFFFFFF  }
0x9c: {  	s20 =	sld [smem:$0x3FDB];
	_ =	sdelay $0x1  }
0x9d: {  	s8 =	simm.s32 $_scs_section_size  }
0x9e: {  	s9 =	simm.s32 $_size__tile_overlayer_lowered;
	s10 =	simm.s32 $_tile_overlayer_lowered  }
0x9f: {  	s23 =	simm.s32 $0x1BFF;
	s22 =	sshll.u32 s10, $0x1;
	s7 =	sadd.s32 s8, s20  }
0xa0: {  	s11 =	simm.s32 $0x0;
	s21 =	sshll.u32 s9, $0x1;
	s9 =	sadd.s32 s22, s7  }
0xa1: {  	[timem:s11], [sflag:s23] =	dma.local [hbm:s9], s21  }
0xa2: {  	_ =	swait.ge [sflag:s23], s21  }
0xa3: {  	s8 =	ssub.s32 $0x0, s21;
	[sflag:s23] =	ssyncset.done $0x0  }
0xa4: {  	[sflag:s23] =	ssyncadd.s32 s8;
	_ =	sdelay $0x1  }
0xa5: {  	s24 =	simm.s32 $0x1B8B  }
0xa6: {  	_ =	swait.ge [sflag:s24], $0x1  }
0xa7: {  	[sflag:s24] =	ssyncset.done $0x0  }
0xa8: {  	s25 =	simm.s32 $0x1B8E;
	[sflag:s24] =	ssyncadd.s32 $0xFFFFFFFF  }
0xa9: {  	s26 =	simm.s32 $execute0_lowered;
	[smem:$0x3FD2] =	sst s25  }
0xaa: {  	s8 =	sshll.u32 s26, $0x1;
	_ =	strace $0x80000046;
	[dreg:$0x1] =	wrdreg $0xFFFFFFFF  }
0xab: {  	s28 =	simm.s32 $_size_execute0_lowered;
	s7 =	sadd.s32 s7, s8;
	[dreg:$0x0] =	wrdreg $0x0  }
0xac: {  	s8 =	sshll.u32 s28, $0x1;
	[dreg:$0x2] =	wrdreg s7  }
0xad: {  	[dreg:$0x3] =	wrdreg s8  }
0xae: {  	[dreg:$0x4] =	wrdreg $0xC0  }
0xaf: {  	_ =	task [dreg:s11], $0x5FFFF  }
0xb0: {  	[dreg:$0x1] =	wrdreg $0xFFFFFFFF  }
0xb1: {  	[dreg:$0x0] =	wrdreg $0x60  }
0xb2: {  	[dreg:$0x2] =	wrdreg s2  }
0xb3: {  	[dreg:$0x3] =	wrdreg s19  }
0xb4: {  	[dreg:$0x4] =	wrdreg s4  }
0xb5: {  	[dreg:$0x5] =	wrdreg s5  }
0xb6: {  	[dreg:$0x6] =	wrdreg s6  }
0xb7: {  	[dreg:$0x7] =	wrdreg $0x92000  }
0xb8: {  	[dreg:$0x8] =	wrdreg $0x9  }
0xb9: {  	_ =	task.clear_ibuf [dreg:s11], $0x9FFFF;
	_ =	strace $0x90000046  }
0xba: {  	s29 =	simm.s32 $0x9;
	_ =	strace $0x80000048  }
0xbb: {  	_ =	swait.ge [sflag:s29], $0x1  }
0xbc: {  	[sflag:s29] =	ssyncadd.s32 $0xFFFFFFFF  }
0xbd: {  	_ =	strace $0x90000048  }
0xbe: {  	_ =	sfence  }
0xbf: {  	s30 =	sld [smem:$0x0];
	_ =	sdelay $0x2  }
0xc0: {  	s31 =	sshll.u32 s1, $0xD;
	s1 =	sshrl.u32 s1, $0x2  }
0xc1: {  	s3 =	sand.u32 $0x4000, s31;
	s1 =	sadd.s32 s1, s30  }
0xc2: {  	s0 =	sor.u32 s3, s0;
	s1 =	sshll.u32 s1, $0x11  }
0xc3: {  	s0 =	sor.u32 s1, s0  }
0xc4: {  	s0 =	sadd.s32 $0x8F2B, s0  }
0xc5: {  	[sflag:s0] =	ssyncadd.remote.s32 $0x1  }
0xc6: {  	_ =	sfence.sel $0xFFFF  }
0xc7: {  	[dreg:$0x0] =	wrdreg $0xFFFFFFFF;
	(pc) =	sbr.abs _section_cstart, $3  }
0xc8: {  	[dreg:$0x1] =	wrdreg $0xFFFFFFFF  }
0xc9: {  	_ =	task.clear_ibuf [dreg:s11], $0x2FFFF;
	_ =	strace $0x9FFFFFFF  }
0xca: {  	(tm) =	ssettm $0x7FFFFFFF  }
0xcb: {  	_ =	shalt  }
tec
execute0_lowered:
.L_overlay_start_1:
0x0: {  	(tag) =	ssettag $0x1  }
0x1: {  	s1 =	rddreg [dreg:$0x0]  }
0x2: {  	s2 =	rddreg [dreg:$0x1]  }
0x3: {  	s3 =	rddreg [dreg:$0x2]  }
0x4: {  	s4 =	rddreg [dreg:$0x3]  }
0x5: {  	s0 =	rddreg [dreg:$0x4]  }
0x6: {  	s6 =	rddreg [dreg:$0x5]  }
0x7: {  	s7 =	simm.s32 $0x0;
	s5 =	srdreg.scid;
	s22 =	stileid.u32  }
0x8: {  	s28 =	simm.s32 $0x8100;
	s29 =	simm.s32 $0x8180;
	s30 =	simm.s32 $0x10  }
0x9: {  	[smem:$0x7FF] =	sst s7;
	s5 =	sand.u32 $0x1, s5;
	s8 =	smul.u32 $0x4E000, s22  }
0xa: {  	s19 =	smul.u32 $0x2700, s22;
	s15 =	sadd.s32 $0x138000, s6;
	p0 =	sne.s32 s22, $0xF  }
0xb: {  	s31 =	simm.s32 $0x0;
	_ =	strace $0x80000047;
	s18 =	smul.u32 $0x138800, s5  }
0xc: {  	s9 =	ssub.s32 $0x2, s5;
	s10 =	sshll.u32 s5, $0x4;
	s5 =	smul.u32 $0x27100, s5  }
0xd: {  	s11 =	sshrl.u32 s9, $0x1;
	s10 =	sor.u32 s22, s10;
	s8 =	sshrl.u32 s8, $0x2  }
0xe: {  	s22 =	simm.s32 $0x100;
	s11 =	ssub.s32 s9, s11;
	s8 =	sadd.s32 s8, s6  }
0xf: {  	s9 =	smul.u32 $0x2710, s10;
	s25 =	sshrl.u32 s18, $0x3;
	s5 =	sadd.s32 s19, s5  }
0x10: {  	s12 =	sadd.s32 $0x3400, s8;
	s20 =	sadd.s32 $0x6800, s8;
	s21 =	sadd.s32 $0x9C00, s8  }
0x11: {  	s23 =	sadd.s32 $0xD000, s8;
	s14 =	sadd.s32 $0x10400, s8;
	[dreg:$0x7] =	wrdreg s12  }
0x12: {  	s26 =	sadd.s32 s0, s25;
	s19 =	sadd.s32 s0, s5;
	[dreg:$0x8] =	wrdreg s20  }
0x13: {  	s25 =	simm.s32 $0x4100;
	s0 =	simm.s32 $0x8A00;
	[dreg:$0x9] =	wrdreg s21  }
0x14: {  	[dreg:$0xa] =	wrdreg s23;
	s24 =	sadd.s32 $0x2700, s9;
	s20 =	sadd.s32 $0x27000, s26  }
0x15: {  	s21 =	smax.u32 s11, $0x1;
	s23 =	simm.s32 $0x2;
	s26 =	simm.s32 $0x1  }
0x16: {  	s13 =	sshrl.u32 s24, $0x3;
	s12 =	sshll.u32 s24, $0x4;
	s24 =	simm.s32 $0x80  }
0x17: {  	v0 =	vimm.f32 $0.0e+00;
	s16 =	sadd.s32 s2, s13;
	s17 =	sadd.s32 s3, s13;
	s18 =	sadd.s32 s4, s12  }
.LBB2_1:
0x18: {  	s5 =	simm.s32 $0x0;
	s10 =	simm.s32 $0x200  }
.LBB2_2:
0x19: {  	p1 =	sne.s32 s10, $0xCE00;
	[tilespmem:s5+$0x170] =	vst v0  }
0x1a: {  	[tilespmem:s5+$0x100] =	vst v0  }
0x1b: {  	[tilespmem:s5+$0x110] =	vst v0  }
.Ltmp0:
0x1c: {  	[tilespmem:s5+$0x120] =	vst v0;
	(pc) =	sbr.rel @p1 .LBB2_2-.Ltmp0, $4  }
0x1d: {  	[tilespmem:s5+$0x130] =	vst v0  }
0x1e: {  	[tilespmem:s5+$0x140] =	vst v0  }
0x1f: {  	[tilespmem:s5+$0x150] =	vst v0  }
0x20: {  	[tilespmem:s5+$0x160] =	vst v0;
	s5 =	sshra.s32 s10, $0x2;
	s10 =	sadd.s32 $0x200, s10  }
0x21: {  	[tilespmem:s5+$0x170] =	vst v0  }
0x22: {  	[tilespmem:s5+$0x100] =	vst v0  }
0x23: {  	[tilespmem:s5+$0x110] =	vst v0  }
0x24: {  	[tilespmem:s5+$0x120] =	vst v0  }
0x25: {  	[tilespmem:s5+$0x130] =	vst v0  }
0x26: {  	[tilespmem:s5+$0x140] =	vst v0  }
0x27: {  	[tilespmem:s5+$0x150] =	vst v0  }
0x28: {  	[tilespmem:s5+$0x160] =	vst v0  }
0x29: {  	[spmem:s8] =	stream.linear.scatter [tilespmem:s22], [sflag:$0x2], $0x3400, $0x38;
	[tilespmem:$0x1CA80] =	vst v63  }
0x2a: {  	_ =	swait.ge [sflag:s23], $0x3400  }
0x2b: {  	[sflag:s23] =	ssyncset.done $0x0  }
0x2c: {  	s10 =	rddreg [dreg:$0x7];
	[sflag:s23] =	ssyncadd.s32 $0xFFFFCC00  }
0x2d: {  	[spmem:s10] =	stream.linear.scatter [tilespmem:s22], [sflag:$0x2], $0x3400, $0x38;
	[tilespmem:$0x1CA80] =	vst v63  }
0x2e: {  	_ =	swait.ge [sflag:s23], $0x3400  }
0x2f: {  	[sflag:s23] =	ssyncset.done $0x0  }
0x30: {  	s11 =	rddreg [dreg:$0x8];
	[sflag:s23] =	ssyncadd.s32 $0xFFFFCC00  }
0x31: {  	[spmem:s11] =	stream.linear.scatter [tilespmem:s22], [sflag:$0x2], $0x3400, $0x38;
	[tilespmem:$0x1CA80] =	vst v63  }
0x32: {  	_ =	swait.ge [sflag:s23], $0x3400  }
0x33: {  	[sflag:s23] =	ssyncset.done $0x0  }
0x34: {  	s12 =	rddreg [dreg:$0x9];
	[sflag:s23] =	ssyncadd.s32 $0xFFFFCC00  }
0x35: {  	[spmem:s12] =	stream.linear.scatter [tilespmem:s22], [sflag:$0x2], $0x3400, $0x38;
	[tilespmem:$0x1CA80] =	vst v63  }
0x36: {  	_ =	swait.ge [sflag:s23], $0x3400  }
0x37: {  	[sflag:s23] =	ssyncset.done $0x0  }
0x38: {  	s13 =	rddreg [dreg:$0xa];
	[sflag:s23] =	ssyncadd.s32 $0xFFFFCC00  }
0x39: {  	[spmem:s13] =	stream.linear.scatter [tilespmem:s22], [sflag:$0x2], $0x3400, $0x38;
	[tilespmem:$0x1CA80] =	vst v63  }
0x3a: {  	_ =	swait.ge [sflag:s23], $0x3400  }
0x3b: {  	[sflag:s23] =	ssyncset.done $0x0  }
0x3c: {  	[sflag:s23] =	ssyncadd.s32 $0xFFFFCC00  }
0x3d: {  	[spmem:s14] =	stream.linear.scatter [tilespmem:s22], [sflag:$0x2], $0x3400, $0x38;
	[tilespmem:$0x1CA80] =	vst v63  }
0x3e: {  	_ =	swait.ge [sflag:s23], $0x3400  }
0x3f: {  	[sflag:s23] =	ssyncset.done $0x0  }
0x40: {  	s5 =	simm.s32 @!p0 $0x100;
	[sflag:s23] =	ssyncadd.s32 $0xFFFFCC00  }
0x41: {  	[spmem:s15] =	stream.linear.scatter @!p0 [tilespmem:s5], [sflag:$0x2], $0x800, $0x38;
	[tilespmem:$0x1CA80] =	vst v63  }
0x42: {  	s5 =	simm.s32 @!p0 $0x2  }
0x43: {  	_ =	swait.ge @!p0 [sflag:s5], $0x800  }
0x44: {  	[sflag:s5] =	ssyncset.done @!p0 $0x0  }
0x45: {  	[sflag:s5] =	ssyncadd.s32 @!p0 $0xFFFFF800  }
0x46: {  	s5 =	simm.s32 $0x0;
	[bflag:$0x0] =	sbarrier.arrive $0xFFFF  }
.LBB2_4:
0x47: {  	s10 =	sshll.u32 s5, $0x7  }
0x48: {  	s10 =	sadd.s32 s9, s10  }
0x49: {  	s11 =	sshrl.u32 s10, $0x3  }
0x4a: {  	s12 =	sadd.s32 s2, s11  }
0x4b: {  	[tilespmem:s7], [sflag:$0x2] =	stream.linear.gather [hbm4b:s12+s7], $0x80, $0x38;
	[tilespmem:$0x1CA80] =	vst v63  }
0x4c: {  	_ =	swait.ge [sflag:s23], $0x80  }
0x4d: {  	[sflag:s23] =	ssyncset.done $0x0  }
0x4e: {  	s11 =	sadd.s32 s3, s11;
	[sflag:s23] =	ssyncadd.s32 $0xFFFFFF80  }
0x4f: {  	[tilespmem:s24], [sflag:$0x2] =	stream.linear.gather [hbm4b:s11+s7], $0x80, $0x38;
	[tilespmem:$0x1CA80] =	vst v63  }
0x50: {  	_ =	swait.ge [sflag:s23], $0x80  }
0x51: {  	[sflag:s23] =	ssyncset.done $0x0  }
0x52: {  	s10 =	sshll.u32 s10, $0x4;
	[sflag:s23] =	ssyncadd.s32 $0xFFFFFF80  }
0x53: {  	[tilespmem:s22], [sflag:$0x1] =	stream.indirect.gather [hbm4b:s1+s24], $0x80, s7, s24, $0xb8;
	[tilespmem:$0x1CA80] =	vst v63  }
0x54: {  	s10 =	sadd.s32 s4, s10  }
0x55: {  	[tilespmem:s25], [sflag:$0x2] =	stream.linear.gather [hbm4b:s10+s7], $0x4000, $0x38;
	[tilespmem:$0x1CA80] =	vst v63  }
0x56: {  	_ =	swait.ge [sflag:s23], $0x4000  }
0x57: {  	[sflag:s23] =	ssyncset.done $0x0  }
0x58: {  	[sflag:s23] =	ssyncadd.s32 $0xFFFFC000  }
0x59: {  	_ =	swait.ge [sflag:s26], $0x4000  }
0x5a: {  	[sflag:s26] =	ssyncset.done $0x0  }
0x5b: {  	s10 =	simm.s32 $0x4180;
	[sflag:s26] =	ssyncadd.s32 $0xFFFFC000  }
0x5c: {  	s11 =	simm.s32 $0x180;
	v1 =	vld [tilespmem:s10+$0xFFFFFF80]  }
0x5d: {  	v2 =	vld [tilespmem:s11+$0xFFFFFF80];
	_ =	sdelay $0x4  }
0x5e: {  	v1 =	vadd.f32 v1, v2;
	_ =	sdelay $0x1  }
0x5f: {  	v1 =	vmax.f32 v1, $0.0e+00  }
0x60: {  	[tilespmem:s10+$0xFFFFFF80] =	vst v1;
	v1 =	vld [tilespmem:s10+$0xFFFFFF90]  }
0x61: {  	v2 =	vld [tilespmem:s11+$0xFFFFFF90];
	_ =	sdelay $0x4  }
0x62: {  	v1 =	vadd.f32 v1, v2;
	_ =	sdelay $0x1  }
0x63: {  	v1 =	vmax.f32 v1, $0.0e+00  }
0x64: {  	[tilespmem:s10+$0xFFFFFF90] =	vst v1;
	v1 =	vld [tilespmem:s10+$0xFFFFFFA0]  }
0x65: {  	v2 =	vld [tilespmem:s11+$0xFFFFFFA0];
	_ =	sdelay $0x4  }
0x66: {  	v1 =	vadd.f32 v1, v2;
	_ =	sdelay $0x1  }
0x67: {  	v1 =	vmax.f32 v1, $0.0e+00  }
0x68: {  	[tilespmem:s10+$0xFFFFFFA0] =	vst v1;
	v1 =	vld [tilespmem:s10+$0xFFFFFFB0]  }
0x69: {  	v2 =	vld [tilespmem:s11+$0xFFFFFFB0];
	_ =	sdelay $0x4  }
0x6a: {  	v1 =	vadd.f32 v1, v2;
	_ =	sdelay $0x1  }
0x6b: {  	v1 =	vmax.f32 v1, $0.0e+00  }
0x6c: {  	[tilespmem:s10+$0xFFFFFFB0] =	vst v1;
	v1 =	vld [tilespmem:s10+$0xFFFFFFC0]  }
0x6d: {  	v2 =	vld [tilespmem:s11+$0xFFFFFFC0];
	_ =	sdelay $0x4  }
0x6e: {  	v1 =	vadd.f32 v1, v2;
	_ =	sdelay $0x1  }
0x6f: {  	v1 =	vmax.f32 v1, $0.0e+00  }
0x70: {  	[tilespmem:s10+$0xFFFFFFC0] =	vst v1;
	v1 =	vld [tilespmem:s10+$0xFFFFFFD0]  }
0x71: {  	v2 =	vld [tilespmem:s11+$0xFFFFFFD0];
	_ =	sdelay $0x4  }
0x72: {  	v1 =	vadd.f32 v1, v2;
	_ =	sdelay $0x1  }
0x73: {  	v1 =	vmax.f32 v1, $0.0e+00  }
0x74: {  	[tilespmem:s10+$0xFFFFFFD0] =	vst v1;
	v1 =	vld [tilespmem:s10+$0xFFFFFFE0]  }
0x75: {  	v2 =	vld [tilespmem:s11+$0xFFFFFFE0];
	_ =	sdelay $0x4  }
0x76: {  	v1 =	vadd.f32 v1, v2;
	_ =	sdelay $0x1  }
0x77: {  	v1 =	vmax.f32 v1, $0.0e+00  }
0x78: {  	[tilespmem:s10+$0xFFFFFFE0] =	vst v1;
	v1 =	vld [tilespmem:s10+$0xFFFFFFF0]  }
0x79: {  	v2 =	vld [tilespmem:s11+$0xFFFFFFF0];
	_ =	sdelay $0x4  }
0x7a: {  	v1 =	vadd.f32 v1, v2;
	_ =	sdelay $0x1  }
0x7b: {  	v1 =	vmax.f32 v1, $0.0e+00  }
0x7c: {  	[tilespmem:s10+$0xFFFFFFF0] =	vst v1;
	v1 =	vld [tilespmem:s10+$0x0]  }
0x7d: {  	v2 =	vld [tilespmem:s11+$0x0];
	_ =	sdelay $0x4  }
0x7e: {  	v1 =	vadd.f32 v1, v2;
	_ =	sdelay $0x1  }
0x7f: {  	v1 =	vmax.f32 v1, $0.0e+00  }
0x80: {  	[tilespmem:s10+$0x0] =	vst v1;
	v1 =	vld [tilespmem:s10+$0x10]  }
0x81: {  	v2 =	vld [tilespmem:s11+$0x10];
	_ =	sdelay $0x4  }
0x82: {  	v1 =	vadd.f32 v1, v2;
	_ =	sdelay $0x1  }
0x83: {  	v1 =	vmax.f32 v1, $0.0e+00  }
0x84: {  	[tilespmem:s10+$0x10] =	vst v1;
	v1 =	vld [tilespmem:s10+$0x20]  }
0x85: {  	v2 =	vld [tilespmem:s11+$0x20];
	_ =	sdelay $0x4  }
0x86: {  	v1 =	vadd.f32 v1, v2;
	_ =	sdelay $0x1  }
0x87: {  	v1 =	vmax.f32 v1, $0.0e+00  }
0x88: {  	[tilespmem:s10+$0x20] =	vst v1;
	v1 =	vld [tilespmem:s10+$0x30]  }
0x89: {  	v2 =	vld [tilespmem:s11+$0x30];
	_ =	sdelay $0x4  }
0x8a: {  	v1 =	vadd.f32 v1, v2;
	_ =	sdelay $0x1  }
0x8b: {  	v1 =	vmax.f32 v1, $0.0e+00  }
0x8c: {  	[tilespmem:s10+$0x30] =	vst v1;
	v1 =	vld [tilespmem:s10+$0x40]  }
0x8d: {  	v2 =	vld [tilespmem:s11+$0x40];
	_ =	sdelay $0x4  }
0x8e: {  	v1 =	vadd.f32 v1, v2;
	_ =	sdelay $0x1  }
0x8f: {  	v1 =	vmax.f32 v1, $0.0e+00  }
0x90: {  	[tilespmem:s10+$0x40] =	vst v1;
	v1 =	vld [tilespmem:s10+$0x50]  }
0x91: {  	v2 =	vld [tilespmem:s11+$0x50];
	_ =	sdelay $0x4  }
0x92: {  	v1 =	vadd.f32 v1, v2;
	_ =	sdelay $0x1  }
0x93: {  	v1 =	vmax.f32 v1, $0.0e+00  }
0x94: {  	[tilespmem:s10+$0x50] =	vst v1;
	v1 =	vld [tilespmem:s10+$0x60]  }
0x95: {  	v2 =	vld [tilespmem:s11+$0x60];
	_ =	sdelay $0x4  }
0x96: {  	v1 =	vadd.f32 v1, v2;
	_ =	sdelay $0x1  }
0x97: {  	v1 =	vmax.f32 v1, $0.0e+00  }
0x98: {  	[tilespmem:s10+$0x60] =	vst v1;
	v1 =	vld [tilespmem:s10+$0x70]  }
0x99: {  	v2 =	vld [tilespmem:s11+$0x70];
	_ =	sdelay $0x4  }
0x9a: {  	v1 =	vadd.f32 v1, v2;
	_ =	sdelay $0x1  }
0x9b: {  	s13 =	simm.s32 $0x4280;
	s12 =	simm.s32 $0x0;
	v1 =	vmax.f32 v1, $0.0e+00  }
.LBB2_5:
0x9c: {  	v2 =	vld [tilespmem:s13+$0xFFFFFF80];
	[tilespmem:s10+$0x70] =	vst v1;
	s11 =	sadd.s32 $0x100, s11;
	s10 =	smov.u32 s13  }
0x9d: {  	s12 =	sadd.s32 $0x2, s12;
	v1 =	vld [tilespmem:s11+$0xFFFFFF80]  }
0x9e: {  	p1 =	slt.u32 s12, $0x7E;
	_ =	sdelay $0x3  }
0x9f: {  	v1 =	vadd.f32 v2, v1;
	_ =	sdelay $0x1  }
0xa0: {  	v1 =	vmax.f32 v1, $0.0e+00  }
0xa1: {  	[tilespmem:s13+$0xFFFFFF80] =	vst v1;
	v1 =	vld [tilespmem:s13+$0xFFFFFF90]  }
0xa2: {  	v2 =	vld [tilespmem:s11+$0xFFFFFF90];
	_ =	sdelay $0x4  }
0xa3: {  	v1 =	vadd.f32 v1, v2;
	_ =	sdelay $0x1  }
0xa4: {  	v1 =	vmax.f32 v1, $0.0e+00  }
0xa5: {  	[tilespmem:s13+$0xFFFFFF90] =	vst v1;
	v1 =	vld [tilespmem:s13+$0xFFFFFFA0]  }
0xa6: {  	v2 =	vld [tilespmem:s11+$0xFFFFFFA0];
	_ =	sdelay $0x4  }
0xa7: {  	v1 =	vadd.f32 v1, v2;
	_ =	sdelay $0x1  }
0xa8: {  	v1 =	vmax.f32 v1, $0.0e+00  }
0xa9: {  	[tilespmem:s13+$0xFFFFFFA0] =	vst v1;
	v1 =	vld [tilespmem:s13+$0xFFFFFFB0]  }
0xaa: {  	v2 =	vld [tilespmem:s11+$0xFFFFFFB0];
	_ =	sdelay $0x4  }
0xab: {  	v1 =	vadd.f32 v1, v2;
	_ =	sdelay $0x1  }
0xac: {  	v1 =	vmax.f32 v1, $0.0e+00  }
0xad: {  	[tilespmem:s13+$0xFFFFFFB0] =	vst v1;
	v1 =	vld [tilespmem:s13+$0xFFFFFFC0]  }
0xae: {  	v2 =	vld [tilespmem:s11+$0xFFFFFFC0];
	_ =	sdelay $0x4  }
0xaf: {  	v1 =	vadd.f32 v1, v2;
	_ =	sdelay $0x1  }
0xb0: {  	v1 =	vmax.f32 v1, $0.0e+00  }
0xb1: {  	[tilespmem:s13+$0xFFFFFFC0] =	vst v1;
	v1 =	vld [tilespmem:s13+$0xFFFFFFD0]  }
0xb2: {  	v2 =	vld [tilespmem:s11+$0xFFFFFFD0];
	_ =	sdelay $0x4  }
0xb3: {  	v1 =	vadd.f32 v1, v2;
	_ =	sdelay $0x1  }
0xb4: {  	v1 =	vmax.f32 v1, $0.0e+00  }
0xb5: {  	[tilespmem:s13+$0xFFFFFFD0] =	vst v1;
	v1 =	vld [tilespmem:s13+$0xFFFFFFE0]  }
0xb6: {  	v2 =	vld [tilespmem:s11+$0xFFFFFFE0];
	_ =	sdelay $0x4  }
0xb7: {  	v1 =	vadd.f32 v1, v2;
	_ =	sdelay $0x1  }
0xb8: {  	v1 =	vmax.f32 v1, $0.0e+00  }
0xb9: {  	[tilespmem:s13+$0xFFFFFFE0] =	vst v1;
	v1 =	vld [tilespmem:s13+$0xFFFFFFF0]  }
0xba: {  	v2 =	vld [tilespmem:s11+$0xFFFFFFF0];
	_ =	sdelay $0x4  }
0xbb: {  	v1 =	vadd.f32 v1, v2;
	_ =	sdelay $0x1  }
0xbc: {  	v1 =	vmax.f32 v1, $0.0e+00  }
0xbd: {  	[tilespmem:s13+$0xFFFFFFF0] =	vst v1;
	v1 =	vld [tilespmem:s13+$0x0]  }
0xbe: {  	v2 =	vld [tilespmem:s11+$0x0];
	_ =	sdelay $0x4  }
0xbf: {  	v1 =	vadd.f32 v1, v2;
	_ =	sdelay $0x1  }
0xc0: {  	v1 =	vmax.f32 v1, $0.0e+00  }
0xc1: {  	[tilespmem:s13+$0x0] =	vst v1;
	v1 =	vld [tilespmem:s13+$0x10]  }
0xc2: {  	v2 =	vld [tilespmem:s11+$0x10];
	_ =	sdelay $0x4  }
0xc3: {  	v1 =	vadd.f32 v1, v2;
	_ =	sdelay $0x1  }
0xc4: {  	v1 =	vmax.f32 v1, $0.0e+00  }
0xc5: {  	[tilespmem:s13+$0x10] =	vst v1;
	v1 =	vld [tilespmem:s13+$0x20]  }
0xc6: {  	v2 =	vld [tilespmem:s11+$0x20];
	_ =	sdelay $0x4  }
0xc7: {  	v1 =	vadd.f32 v1, v2;
	_ =	sdelay $0x1  }
0xc8: {  	v1 =	vmax.f32 v1, $0.0e+00  }
0xc9: {  	[tilespmem:s13+$0x20] =	vst v1;
	v1 =	vld [tilespmem:s13+$0x30]  }
0xca: {  	v2 =	vld [tilespmem:s11+$0x30];
	_ =	sdelay $0x4  }
0xcb: {  	v1 =	vadd.f32 v1, v2;
	_ =	sdelay $0x1  }
0xcc: {  	v1 =	vmax.f32 v1, $0.0e+00  }
0xcd: {  	[tilespmem:s13+$0x30] =	vst v1;
	v1 =	vld [tilespmem:s13+$0x40]  }
0xce: {  	v2 =	vld [tilespmem:s11+$0x40];
	_ =	sdelay $0x4  }
0xcf: {  	v1 =	vadd.f32 v1, v2;
	_ =	sdelay $0x1  }
0xd0: {  	v1 =	vmax.f32 v1, $0.0e+00  }
0xd1: {  	[tilespmem:s13+$0x40] =	vst v1;
	v1 =	vld [tilespmem:s13+$0x50]  }
0xd2: {  	v2 =	vld [tilespmem:s11+$0x50];
	_ =	sdelay $0x4  }
0xd3: {  	v1 =	vadd.f32 v1, v2;
	_ =	sdelay $0x1  }
0xd4: {  	v1 =	vmax.f32 v1, $0.0e+00  }
0xd5: {  	[tilespmem:s13+$0x50] =	vst v1;
	v1 =	vld [tilespmem:s13+$0x60]  }
0xd6: {  	v2 =	vld [tilespmem:s11+$0x60];
	_ =	sdelay $0x4  }
0xd7: {  	v1 =	vadd.f32 v1, v2;
	_ =	sdelay $0x1  }
0xd8: {  	v1 =	vmax.f32 v1, $0.0e+00  }
0xd9: {  	[tilespmem:s13+$0x60] =	vst v1;
	v1 =	vld [tilespmem:s13+$0x70]  }
0xda: {  	v2 =	vld [tilespmem:s11+$0x70];
	_ =	sdelay $0x2  }
.Ltmp1:
0xdb: {  	(pc) =	sbr.rel @p1 .LBB2_5-.Ltmp1, $3  }
0xdc: {  	_ = 	snop  }
0xdd: {  	v1 =	vadd.f32 v1, v2;
	_ =	sdelay $0x1  }
0xde: {  	s13 =	sadd.s32 $0x100, s13;
	v1 =	vmax.f32 v1, $0.0e+00  }
0xdf: {  	s5 =	sadd.s32 $0x1, s5  }
0xe0: {  	p1 =	sne.s32 s5, $0x4E  }
.Ltmp2:
0xe1: {  	[tilespmem:s10+$0x70] =	vst v1;
	(pc) =	sbr.rel @p1 .LBB2_4-.Ltmp2, $4  }
0xe2: {  	[spmem:s6] =	stream.indirect.scatter.add.f32 [tilespmem:s25], [sflag:$0x2], $0x80, s24, s24, $0xb8;
	[tilespmem:$0x1CA80] =	vst v63  }
0xe3: {  	_ =	swait.ge [sflag:s23], $0x4000  }
0xe4: {  	[sflag:s23] =	ssyncset.done $0x0  }
0xe5: {  	[sflag:s23] =	ssyncadd.s32 $0xFFFFC000  }
0xe6: {  	[tilespmem:s28], [sflag:$0x2] =	stream.linear.gather [hbm4b:s16+s7], $0x10, $0x38;
	[tilespmem:$0x1CA80] =	vst v63  }
0xe7: {  	_ =	swait.ge [sflag:s23], $0x10  }
0xe8: {  	[sflag:s23] =	ssyncset.done $0x0  }
0xe9: {  	[sflag:s23] =	ssyncadd.s32 $0xFFFFFFF0  }
0xea: {  	[tilespmem:s29], [sflag:$0x2] =	stream.linear.gather [hbm4b:s17+s7], $0x10, $0x38;
	[tilespmem:$0x1CA80] =	vst v63  }
0xeb: {  	_ =	swait.ge [sflag:s23], $0x10  }
0xec: {  	[sflag:s23] =	ssyncset.done $0x0  }
0xed: {  	s5 =	simm.s32 $0x8200;
	[sflag:s23] =	ssyncadd.s32 $0xFFFFFFF0  }
0xee: {  	[tilespmem:s5], [sflag:$0x1] =	stream.indirect.gather [hbm4b:s1+s30], $0x80, s28, s30, $0xb8;
	[tilespmem:$0x1CA80] =	vst v63  }
0xef: {  	_ = 	snop  }
0xf0: {  	[tilespmem:s0], [sflag:$0x2] =	stream.linear.gather [hbm4b:s18+s7], $0x800, $0x38;
	[tilespmem:$0x1CA80] =	vst v63  }
0xf1: {  	_ =	swait.ge [sflag:s23], $0x800  }
0xf2: {  	[sflag:s23] =	ssyncset.done $0x0  }
0xf3: {  	[sflag:s23] =	ssyncadd.s32 $0xFFFFF800  }
0xf4: {  	_ =	swait.ge [sflag:s26], $0x800  }
0xf5: {  	[sflag:s26] =	ssyncset.done $0x0  }
0xf6: {  	s5 =	simm.s32 $0x8A80;
	[sflag:s26] =	ssyncadd.s32 $0xFFFFF800  }
0xf7: {  	s10 =	simm.s32 $0x8280;
	v1 =	vld [tilespmem:s5+$0xFFFFFF80]  }
0xf8: {  	v2 =	vld [tilespmem:s10+$0xFFFFFF80];
	_ =	sdelay $0x4  }
0xf9: {  	v1 =	vadd.f32 v1, v2;
	_ =	sdelay $0x1  }
0xfa: {  	v1 =	vmax.f32 v1, $0.0e+00  }
0xfb: {  	[tilespmem:s5+$0xFFFFFF80] =	vst v1;
	v1 =	vld [tilespmem:s5+$0xFFFFFF90]  }
0xfc: {  	v2 =	vld [tilespmem:s10+$0xFFFFFF90];
	_ =	sdelay $0x4  }
0xfd: {  	v1 =	vadd.f32 v1, v2;
	_ =	sdelay $0x1  }
0xfe: {  	v1 =	vmax.f32 v1, $0.0e+00  }
0xff: {  	[tilespmem:s5+$0xFFFFFF90] =	vst v1;
	v1 =	vld [tilespmem:s5+$0xFFFFFFA0]  }
0x100: {  	v2 =	vld [tilespmem:s10+$0xFFFFFFA0];
	_ =	sdelay $0x4  }
0x101: {  	v1 =	vadd.f32 v1, v2;
	_ =	sdelay $0x1  }
0x102: {  	v1 =	vmax.f32 v1, $0.0e+00  }
0x103: {  	[tilespmem:s5+$0xFFFFFFA0] =	vst v1;
	v1 =	vld [tilespmem:s5+$0xFFFFFFB0]  }
0x104: {  	v2 =	vld [tilespmem:s10+$0xFFFFFFB0];
	_ =	sdelay $0x4  }
0x105: {  	v1 =	vadd.f32 v1, v2;
	_ =	sdelay $0x1  }
0x106: {  	v1 =	vmax.f32 v1, $0.0e+00  }
0x107: {  	[tilespmem:s5+$0xFFFFFFB0] =	vst v1;
	v1 =	vld [tilespmem:s5+$0xFFFFFFC0]  }
0x108: {  	v2 =	vld [tilespmem:s10+$0xFFFFFFC0];
	_ =	sdelay $0x4  }
0x109: {  	v1 =	vadd.f32 v1, v2;
	_ =	sdelay $0x1  }
0x10a: {  	v1 =	vmax.f32 v1, $0.0e+00  }
0x10b: {  	[tilespmem:s5+$0xFFFFFFC0] =	vst v1;
	v1 =	vld [tilespmem:s5+$0xFFFFFFD0]  }
0x10c: {  	v2 =	vld [tilespmem:s10+$0xFFFFFFD0];
	_ =	sdelay $0x4  }
0x10d: {  	v1 =	vadd.f32 v1, v2;
	_ =	sdelay $0x1  }
0x10e: {  	v1 =	vmax.f32 v1, $0.0e+00  }
0x10f: {  	[tilespmem:s5+$0xFFFFFFD0] =	vst v1;
	v1 =	vld [tilespmem:s5+$0xFFFFFFE0]  }
0x110: {  	v2 =	vld [tilespmem:s10+$0xFFFFFFE0];
	_ =	sdelay $0x4  }
0x111: {  	v1 =	vadd.f32 v1, v2;
	_ =	sdelay $0x1  }
0x112: {  	v1 =	vmax.f32 v1, $0.0e+00  }
0x113: {  	[tilespmem:s5+$0xFFFFFFE0] =	vst v1;
	v1 =	vld [tilespmem:s5+$0xFFFFFFF0]  }
0x114: {  	v2 =	vld [tilespmem:s10+$0xFFFFFFF0];
	_ =	sdelay $0x4  }
0x115: {  	v1 =	vadd.f32 v1, v2;
	_ =	sdelay $0x1  }
0x116: {  	v1 =	vmax.f32 v1, $0.0e+00  }
0x117: {  	[tilespmem:s5+$0xFFFFFFF0] =	vst v1;
	v1 =	vld [tilespmem:s5+$0x0]  }
0x118: {  	v2 =	vld [tilespmem:s10+$0x0];
	_ =	sdelay $0x4  }
0x119: {  	v1 =	vadd.f32 v1, v2;
	_ =	sdelay $0x1  }
0x11a: {  	v1 =	vmax.f32 v1, $0.0e+00  }
0x11b: {  	[tilespmem:s5+$0x0] =	vst v1;
	v1 =	vld [tilespmem:s5+$0x10]  }
0x11c: {  	v2 =	vld [tilespmem:s10+$0x10];
	_ =	sdelay $0x4  }
0x11d: {  	v1 =	vadd.f32 v1, v2;
	_ =	sdelay $0x1  }
0x11e: {  	v1 =	vmax.f32 v1, $0.0e+00  }
0x11f: {  	[tilespmem:s5+$0x10] =	vst v1;
	v1 =	vld [tilespmem:s5+$0x20]  }
0x120: {  	v2 =	vld [tilespmem:s10+$0x20];
	_ =	sdelay $0x4  }
0x121: {  	v1 =	vadd.f32 v1, v2;
	_ =	sdelay $0x1  }
0x122: {  	v1 =	vmax.f32 v1, $0.0e+00  }
0x123: {  	[tilespmem:s5+$0x20] =	vst v1;
	v1 =	vld [tilespmem:s5+$0x30]  }
0x124: {  	v2 =	vld [tilespmem:s10+$0x30];
	_ =	sdelay $0x4  }
0x125: {  	v1 =	vadd.f32 v1, v2;
	_ =	sdelay $0x1  }
0x126: {  	v1 =	vmax.f32 v1, $0.0e+00  }
0x127: {  	[tilespmem:s5+$0x30] =	vst v1;
	v1 =	vld [tilespmem:s5+$0x40]  }
0x128: {  	v2 =	vld [tilespmem:s10+$0x40];
	_ =	sdelay $0x4  }
0x129: {  	v1 =	vadd.f32 v1, v2;
	_ =	sdelay $0x1  }
0x12a: {  	v1 =	vmax.f32 v1, $0.0e+00  }
0x12b: {  	[tilespmem:s5+$0x40] =	vst v1;
	v1 =	vld [tilespmem:s5+$0x50]  }
0x12c: {  	v2 =	vld [tilespmem:s10+$0x50];
	_ =	sdelay $0x4  }
0x12d: {  	v1 =	vadd.f32 v1, v2;
	_ =	sdelay $0x1  }
0x12e: {  	v1 =	vmax.f32 v1, $0.0e+00  }
0x12f: {  	[tilespmem:s5+$0x50] =	vst v1;
	v1 =	vld [tilespmem:s5+$0x60]  }
0x130: {  	v2 =	vld [tilespmem:s10+$0x60];
	_ =	sdelay $0x4  }
0x131: {  	v1 =	vadd.f32 v1, v2;
	_ =	sdelay $0x1  }
0x132: {  	v1 =	vmax.f32 v1, $0.0e+00  }
0x133: {  	[tilespmem:s5+$0x60] =	vst v1;
	v1 =	vld [tilespmem:s5+$0x70]  }
0x134: {  	v2 =	vld [tilespmem:s10+$0x70];
	_ =	sdelay $0x4  }
0x135: {  	v1 =	vadd.f32 v1, v2;
	_ =	sdelay $0x1  }
0x136: {  	s11 =	simm.s32 $0x0;
	s12 =	simm.s32 $0x8B80;
	v1 =	vmax.f32 v1, $0.0e+00  }
.LBB2_8:
0x137: {  	v2 =	vld [tilespmem:s12+$0xFFFFFF80];
	[tilespmem:s5+$0x70] =	vst v1;
	s10 =	sadd.s32 $0x100, s10;
	s5 =	smov.u32 s12  }
0x138: {  	s11 =	sadd.s32 $0x2, s11;
	v1 =	vld [tilespmem:s10+$0xFFFFFF80]  }
0x139: {  	p1 =	slt.u32 s11, $0xE;
	_ =	sdelay $0x3  }
0x13a: {  	v1 =	vadd.f32 v2, v1;
	_ =	sdelay $0x1  }
0x13b: {  	v1 =	vmax.f32 v1, $0.0e+00  }
0x13c: {  	[tilespmem:s12+$0xFFFFFF80] =	vst v1;
	v1 =	vld [tilespmem:s12+$0xFFFFFF90]  }
0x13d: {  	v2 =	vld [tilespmem:s10+$0xFFFFFF90];
	_ =	sdelay $0x4  }
0x13e: {  	v1 =	vadd.f32 v1, v2;
	_ =	sdelay $0x1  }
0x13f: {  	v1 =	vmax.f32 v1, $0.0e+00  }
0x140: {  	[tilespmem:s12+$0xFFFFFF90] =	vst v1;
	v1 =	vld [tilespmem:s12+$0xFFFFFFA0]  }
0x141: {  	v2 =	vld [tilespmem:s10+$0xFFFFFFA0];
	_ =	sdelay $0x4  }
0x142: {  	v1 =	vadd.f32 v1, v2;
	_ =	sdelay $0x1  }
0x143: {  	v1 =	vmax.f32 v1, $0.0e+00  }
0x144: {  	[tilespmem:s12+$0xFFFFFFA0] =	vst v1;
	v1 =	vld [tilespmem:s12+$0xFFFFFFB0]  }
0x145: {  	v2 =	vld [tilespmem:s10+$0xFFFFFFB0];
	_ =	sdelay $0x4  }
0x146: {  	v1 =	vadd.f32 v1, v2;
	_ =	sdelay $0x1  }
0x147: {  	v1 =	vmax.f32 v1, $0.0e+00  }
0x148: {  	[tilespmem:s12+$0xFFFFFFB0] =	vst v1;
	v1 =	vld [tilespmem:s12+$0xFFFFFFC0]  }
0x149: {  	v2 =	vld [tilespmem:s10+$0xFFFFFFC0];
	_ =	sdelay $0x4  }
0x14a: {  	v1 =	vadd.f32 v1, v2;
	_ =	sdelay $0x1  }
0x14b: {  	v1 =	vmax.f32 v1, $0.0e+00  }
0x14c: {  	[tilespmem:s12+$0xFFFFFFC0] =	vst v1;
	v1 =	vld [tilespmem:s12+$0xFFFFFFD0]  }
0x14d: {  	v2 =	vld [tilespmem:s10+$0xFFFFFFD0];
	_ =	sdelay $0x4  }
0x14e: {  	v1 =	vadd.f32 v1, v2;
	_ =	sdelay $0x1  }
0x14f: {  	v1 =	vmax.f32 v1, $0.0e+00  }
0x150: {  	[tilespmem:s12+$0xFFFFFFD0] =	vst v1;
	v1 =	vld [tilespmem:s12+$0xFFFFFFE0]  }
0x151: {  	v2 =	vld [tilespmem:s10+$0xFFFFFFE0];
	_ =	sdelay $0x4  }
0x152: {  	v1 =	vadd.f32 v1, v2;
	_ =	sdelay $0x1  }
0x153: {  	v1 =	vmax.f32 v1, $0.0e+00  }
0x154: {  	[tilespmem:s12+$0xFFFFFFE0] =	vst v1;
	v1 =	vld [tilespmem:s12+$0xFFFFFFF0]  }
0x155: {  	v2 =	vld [tilespmem:s10+$0xFFFFFFF0];
	_ =	sdelay $0x4  }
0x156: {  	v1 =	vadd.f32 v1, v2;
	_ =	sdelay $0x1  }
0x157: {  	v1 =	vmax.f32 v1, $0.0e+00  }
0x158: {  	[tilespmem:s12+$0xFFFFFFF0] =	vst v1;
	v1 =	vld [tilespmem:s12+$0x0]  }
0x159: {  	v2 =	vld [tilespmem:s10+$0x0];
	_ =	sdelay $0x4  }
0x15a: {  	v1 =	vadd.f32 v1, v2;
	_ =	sdelay $0x1  }
0x15b: {  	v1 =	vmax.f32 v1, $0.0e+00  }
0x15c: {  	[tilespmem:s12+$0x0] =	vst v1;
	v1 =	vld [tilespmem:s12+$0x10]  }
0x15d: {  	v2 =	vld [tilespmem:s10+$0x10];
	_ =	sdelay $0x4  }
0x15e: {  	v1 =	vadd.f32 v1, v2;
	_ =	sdelay $0x1  }
0x15f: {  	v1 =	vmax.f32 v1, $0.0e+00  }
0x160: {  	[tilespmem:s12+$0x10] =	vst v1;
	v1 =	vld [tilespmem:s12+$0x20]  }
0x161: {  	v2 =	vld [tilespmem:s10+$0x20];
	_ =	sdelay $0x4  }
0x162: {  	v1 =	vadd.f32 v1, v2;
	_ =	sdelay $0x1  }
0x163: {  	v1 =	vmax.f32 v1, $0.0e+00  }
0x164: {  	[tilespmem:s12+$0x20] =	vst v1;
	v1 =	vld [tilespmem:s12+$0x30]  }
0x165: {  	v2 =	vld [tilespmem:s10+$0x30];
	_ =	sdelay $0x4  }
0x166: {  	v1 =	vadd.f32 v1, v2;
	_ =	sdelay $0x1  }
0x167: {  	v1 =	vmax.f32 v1, $0.0e+00  }
0x168: {  	[tilespmem:s12+$0x30] =	vst v1;
	v1 =	vld [tilespmem:s12+$0x40]  }
0x169: {  	v2 =	vld [tilespmem:s10+$0x40];
	_ =	sdelay $0x4  }
0x16a: {  	v1 =	vadd.f32 v1, v2;
	_ =	sdelay $0x1  }
0x16b: {  	v1 =	vmax.f32 v1, $0.0e+00  }
0x16c: {  	[tilespmem:s12+$0x40] =	vst v1;
	v1 =	vld [tilespmem:s12+$0x50]  }
0x16d: {  	v2 =	vld [tilespmem:s10+$0x50];
	_ =	sdelay $0x4  }
0x16e: {  	v1 =	vadd.f32 v1, v2;
	_ =	sdelay $0x1  }
0x16f: {  	v1 =	vmax.f32 v1, $0.0e+00  }
0x170: {  	[tilespmem:s12+$0x50] =	vst v1;
	v1 =	vld [tilespmem:s12+$0x60]  }
0x171: {  	v2 =	vld [tilespmem:s10+$0x60];
	_ =	sdelay $0x4  }
0x172: {  	v1 =	vadd.f32 v1, v2;
	_ =	sdelay $0x1  }
0x173: {  	v1 =	vmax.f32 v1, $0.0e+00  }
0x174: {  	[tilespmem:s12+$0x60] =	vst v1;
	v1 =	vld [tilespmem:s12+$0x70]  }
0x175: {  	v2 =	vld [tilespmem:s10+$0x70];
	_ =	sdelay $0x2  }
.Ltmp3:
0x176: {  	(pc) =	sbr.rel @p1 .LBB2_8-.Ltmp3, $3  }
0x177: {  	_ = 	snop  }
0x178: {  	v1 =	vadd.f32 v1, v2;
	_ =	sdelay $0x1  }
0x179: {  	s12 =	sadd.s32 $0x100, s12;
	v1 =	vmax.f32 v1, $0.0e+00  }
0x17a: {  	[tilespmem:s5+$0x70] =	vst v1  }
0x17b: {  	[spmem:s6] =	stream.indirect.scatter.add.f32 [tilespmem:s0], [sflag:$0x2], $0x80, s29, s30, $0xb8;
	[tilespmem:$0x1CA80] =	vst v63  }
0x17c: {  	_ =	swait.ge [sflag:s23], $0x800  }
0x17d: {  	s13 =	stileid.u32;
	[sflag:s23] =	ssyncset.done $0x0  }
0x17e: {  	s5 =	sshll.u32 s13, $0x6;
	[sflag:s23] =	ssyncadd.s32 $0xFFFFF800  }
0x17f: {  	s10 =	sshrl.u32 s8, $0x3;
	s5 =	sor.u32 $0x1C02, s5;
	[bflag:$0x0] =	sbarrier.arrive $0xFFFF  }
0x180: {  	[hbm:s19], [sflag:s5] =	dma.local [spmem:s10], $0x2700  }
0x181: {  	_ =	swait.ge [sflag:s23], $0x2700  }
0x182: {  	s31 =	sadd.s32 $0x1, s31;
	[sflag:s23] =	ssyncset.done $0x0  }
0x183: {  	p1 =	sne.s32 s31, s21;
	s10 =	sshrl.u32 @!p0 s15, $0x3;
	[sflag:s23] =	ssyncadd.s32 $0xFFFFD900  }
0x184: {  	[hbm:s20], [sflag:s5] =	dma.local @!p0 [spmem:s10], $0x100  }
.Ltmp4:
0x185: {  	_ = 	snop;
	(pc) =	sbr.rel @p1 .LBB2_1-.Ltmp4, $4  }
0x186: {  	s5 =	simm.s32 @!p0 $0x2  }
0x187: {  	_ =	swait.ge @!p0 [sflag:s5], $0x100  }
0x188: {  	[sflag:s5] =	ssyncset.done @!p0 $0x0  }
0x189: {  	[sflag:s5] =	ssyncadd.s32 @!p0 $0xFFFFFF00  }
0x18a: {  	_ =	sfence.sel $0x180000  }
0x18b: {  	[bflag:$0x0] =	sbarrier.arrive $0xFFFF  }
0x18c: {  	_ =	strace $0x90000047  }
0x18d: {  	s0 =	stileid.u32;
	[bflag:$0x2] =	sbarrier.arrive $0xFFFF  }
0x18e: {  	p0 =	sne.s32 s0, $0x0;
	s0 =	rddreg [dreg:$0x6]  }
0x18f: {  	s0 =	sadd.s32 @!p0 $0x100000, s0  }
0x190: {  	[sflag:s0] =	ssyncadd.tile.s32 @!p0 $0x1;
	_ =	shalt  }
.Lfunc_end2:
_tile_overlayer_lowered:
.L_overlay_start_2:
0x191: {  	(tag) =	ssettag $0x2  }
0x192: {  	s0 =	rddreg [dreg:$0x0];
	s2 =	stileid.u32  }
0x193: {  	s1 =	rddreg [dreg:$0x1];
	p0 =	sne.s32 s2, $0x0  }
0x194: {  	s3 =	rddreg [dreg:$0x2];
	[bflag:$0x3] =	sbarrier.arrive $0xFFFF;
	s2 =	simm.s32 @!p0 $0x1C02  }
0x195: {  	[timem:s3], [sflag:s2] =	dma.local @!p0 [hbm:s0], s1  }
0x196: {  	s0 =	simm.s32 @!p0 $0x2  }
0x197: {  	_ =	swait.ge @!p0 [sflag:s0], s1  }
0x198: {  	s1 =	ssub.s32 @!p0 $0x0, s1;
	[sflag:s0] =	ssyncset.done @!p0 $0x0  }
0x199: {  	[sflag:s0] =	ssyncadd.s32 @!p0 s1  }
0x19a: {  	[bflag:$0x3] =	sbarrier.arrive $0xFFFF  }
0x19b: {  	_ =	shalt  }

</sc_bundles>
